<compile_context>
chip_gen: v7x
topology: tpu7x:2x2x1
jax: 0.10.2.dev20260603
libtpu: 0.0.44.dev20260713+nightly
codegen_flags: <defaults>
</compile_context>

<pallas_src>
import functools
import math

import numpy as np
import jax
import jax.numpy as jnp
from jax import lax
from jax.experimental import pallas as pl
from jax.experimental.pallas import tpu as pltpu

B, L, ENC_IN = 2, 2048, 7
D_MODEL, N_HEADS, E_LAYERS, D_FF = 768, 12, 2, 3072
FACTOR = 5
DH = D_MODEL // N_HEADS
U = int(min(FACTOR * math.ceil(math.log(L)), L))
SAMPLE_K = int(min(FACTOR * math.ceil(math.log(L)), L))
ROWS = B * L
NEG = -3e38


def _pos_encoding():
    position = np.arange(L, dtype=np.float32)[:, None]
    div_term = np.exp(
        np.arange(0, D_MODEL, 2, dtype=np.float32) * (-math.log(10000.0) / D_MODEL))
    pe = np.zeros((L, D_MODEL), dtype=np.float32)
    pe[:, 0::2] = np.sin(position * div_term)
    pe[:, 1::2] = np.cos(position * div_term)
    return pe


def _threefry2x32(k0, k1, x0, x1):
    def rotl(x, d):
        return ((x << np.uint32(d)) | (x >> np.uint32(32 - d))).astype(np.uint32)
    ks0 = np.uint32(k0)
    ks1 = np.uint32(k1)
    ks2 = np.uint32(ks0 ^ ks1 ^ np.uint32(0x1BD11BDA))
    ks = [ks0, ks1, ks2]
    rot = [[13, 15, 26, 6], [17, 29, 16, 24]]
    x0 = (np.asarray(x0, np.uint32) + ks0).astype(np.uint32)
    x1 = (np.asarray(x1, np.uint32) + ks1).astype(np.uint32)
    for i in range(5):
        for r in rot[i % 2]:
            x0 = (x0 + x1).astype(np.uint32)
            x1 = rotl(x1, r)
            x1 = (x1 ^ x0).astype(np.uint32)
        x0 = (x0 + ks[(i + 1) % 3]).astype(np.uint32)
        x1 = (x1 + ks[(i + 2) % 3] + np.uint32(i + 1)).astype(np.uint32)
    return x0, x1


def _np_bits(k0, k1, size):
    cnt = np.arange(size, dtype=np.uint64)
    hi = (cnt >> np.uint64(32)).astype(np.uint32)
    lo = (cnt & np.uint64(0xFFFFFFFF)).astype(np.uint32)
    o0, o1 = _threefry2x32(k0, k1, hi, lo)
    return o0 ^ o1


@functools.lru_cache(maxsize=None)
def _sample_counts():
    outs = []
    for i in range(E_LAYERS):
        f0, f1 = _threefry2x32(0, 42, np.uint32(0), np.uint32(i))
        s0, s1 = _threefry2x32(int(f0), int(f1),
                               np.zeros(2, np.uint32),
                               np.arange(2, dtype=np.uint32))
        lower = _np_bits(int(s0[1]), int(s1[1]), L * SAMPLE_K)
        idx = (lower % np.uint32(L)).astype(np.int32).reshape(L, SAMPLE_K)
        cnt = np.zeros((L, L), dtype=np.int8)
        np.add.at(cnt, (np.arange(L)[:, None], idx), 1)
        outs.append(np.ascontiguousarray(cnt.T))
    return outs


_PE = _pos_encoding()
_CNTS = _sample_counts()


def _embed_kernel(x_ref, w_ref, b_ref, pe_ref, o_ref):
    acc = jnp.dot(x_ref[...], w_ref[...], preferred_element_type=jnp.float32)
    o_ref[...] = acc + b_ref[...] + pe_ref[...]


def _embed(xcat, w2d, bias, pe):
    blk = 512
    grid = (ROWS // blk,)
    return pl.pallas_call(
        _embed_kernel,
        grid=grid,
        in_specs=[
            pl.BlockSpec((blk, ENC_IN * 3), lambda i: (i, 0)),
            pl.BlockSpec((ENC_IN * 3, D_MODEL), lambda i: (0, 0)),
            pl.BlockSpec((1, D_MODEL), lambda i: (0, 0)),
            pl.BlockSpec((blk, D_MODEL), lambda i: (i % (L // blk), 0)),
        ],
        out_specs=pl.BlockSpec((blk, D_MODEL), lambda i: (i, 0)),
        out_shape=jax.ShapeDtypeStruct((ROWS, D_MODEL), jnp.float32),
    )(xcat, w2d, bias, pe)


def _matmul_bias_kernel(a_ref, w_ref, b_ref, o_ref):
    o_ref[...] = (
        jnp.dot(a_ref[...], w_ref[...], preferred_element_type=jnp.float32)
        + b_ref[...])


def _matmul_bias(a, w, b):
    blk = 512
    n = w.shape[1]
    grid = (ROWS // blk,)
    return pl.pallas_call(
        _matmul_bias_kernel,
        grid=grid,
        in_specs=[
            pl.BlockSpec((blk, D_MODEL), lambda i: (i, 0)),
            pl.BlockSpec((D_MODEL, n), lambda i: (0, 0)),
            pl.BlockSpec((1, n), lambda i: (0, 0)),
        ],
        out_specs=pl.BlockSpec((blk, n), lambda i: (i, 0)),
        out_shape=jax.ShapeDtypeStruct((ROWS, n), jnp.float32),
    )(a, w, b)


def _attn_kernel(q_ref, k_ref, v_ref, c_ref, o_ref, oh_ref):
    q = q_ref[0, 0]
    k = k_ref[0, 0]
    v = v_ref[0, 0]

    chunk = 512
    m_parts = []
    for ci in range(L // chunk):
        qc = q[ci * chunk:(ci + 1) * chunk]
        st = lax.dot_general(k, qc, (((1,), (1,)), ((), ())),
                             preferred_element_type=jnp.float32)
        cT = c_ref[:, ci * chunk:(ci + 1) * chunk]
        cf = cT.astype(jnp.float32)
        smax = jnp.max(jnp.where(cf > 0.0, st, NEG), axis=0, keepdims=True)
        ssum = jnp.sum(st * cf, axis=0, keepdims=True)
        m_parts.append(smax - ssum * (1.0 / L))
    m = jnp.concatenate(m_parts, axis=1)

    iota = lax.broadcasted_iota(jnp.int32, (1, L), 1)
    for i in range(U):
        mx = jnp.max(m, axis=1, keepdims=True)
        elig = m >= mx
        a = jnp.min(jnp.where(elig, iota, L), axis=1, keepdims=True)
        row = iota == a
        oh_ref[i:i + 1, :] = row.astype(jnp.float32)
        m = jnp.where(row, NEG, m)

    oh = oh_ref[...]
    qr = jnp.dot(oh, q, preferred_element_type=jnp.float32)
    scores = lax.dot_general(qr, k, (((1,), (1,)), ((), ())),
                             preferred_element_type=jnp.float32)
    scores = scores * (1.0 / math.sqrt(DH))
    smax = jnp.max(scores, axis=1, keepdims=True)
    e = jnp.exp(scores - smax)
    attnw = e / jnp.sum(e, axis=1, keepdims=True)
    upd = jnp.dot(attnw, v, preferred_element_type=jnp.float32)

    meanv = jnp.sum(v, axis=0, keepdims=True) * (1.0 / L)
    scat = lax.dot_general(oh, upd, (((0,), (0,)), ((), ())),
                           preferred_element_type=jnp.float32)
    sel = lax.dot_general(oh, jnp.ones((U, DH), jnp.float32),
                          (((0,), (0,)), ((), ())),
                          preferred_element_type=jnp.float32)
    o_ref[0, 0] = scat + meanv * (1.0 - sel)


def _attention(q, k, v, cntT):
    grid = (B, N_HEADS)
    spec = pl.BlockSpec((1, 1, L, DH), lambda b, h: (b, h, 0, 0))
    return pl.pallas_call(
        _attn_kernel,
        grid=grid,
        in_specs=[
            spec, spec, spec,
            pl.BlockSpec((L, L), lambda b, h: (0, 0)),
        ],
        out_specs=spec,
        out_shape=jax.ShapeDtypeStruct((B, N_HEADS, L, DH), jnp.float32),
        scratch_shapes=[pltpu.VMEM((U, L), jnp.float32)],
    )(q, k, v, cntT)


def _ln(x, g, b):
    mu = jnp.mean(x, axis=1, keepdims=True)
    xc = x - mu
    var = jnp.mean(xc * xc, axis=1, keepdims=True)
    return xc * lax.rsqrt(var + 1e-5) * g + b


def _proj_ln_kernel(a_ref, w_ref, b_ref, h_ref, g_ref, gb_ref, o_ref):
    out = (jnp.dot(a_ref[...], w_ref[...], preferred_element_type=jnp.float32)
           + b_ref[...])
    o_ref[...] = _ln(h_ref[...] + out, g_ref[...], gb_ref[...])


def _proj_ln(a, w, b, h, g, gb):
    blk = 512
    grid = (ROWS // blk,)
    return pl.pallas_call(
        _proj_ln_kernel,
        grid=grid,
        in_specs=[
            pl.BlockSpec((blk, D_MODEL), lambda i: (i, 0)),
            pl.BlockSpec((D_MODEL, D_MODEL), lambda i: (0, 0)),
            pl.BlockSpec((1, D_MODEL), lambda i: (0, 0)),
            pl.BlockSpec((blk, D_MODEL), lambda i: (i, 0)),
            pl.BlockSpec((1, D_MODEL), lambda i: (0, 0)),
            pl.BlockSpec((1, D_MODEL), lambda i: (0, 0)),
        ],
        out_specs=pl.BlockSpec((blk, D_MODEL), lambda i: (i, 0)),
        out_shape=jax.ShapeDtypeStruct((ROWS, D_MODEL), jnp.float32),
    )(a, w, b, h, g, gb)


def _ffn_kernel(h_ref, w1_ref, b1_ref, w2_ref, b2_ref, g_ref, gb_ref,
                fg_ref, fb_ref, o_ref, *, final_ln):
    h = h_ref[...]
    y = jnp.maximum(
        jnp.dot(h, w1_ref[...], preferred_element_type=jnp.float32)
        + b1_ref[...], 0.0)
    y = (jnp.dot(y, w2_ref[...], preferred_element_type=jnp.float32)
         + b2_ref[...])
    out = _ln(h + y, g_ref[...], gb_ref[...])
    if final_ln:
        out = _ln(out, fg_ref[...], fb_ref[...])
    o_ref[...] = out


def _ffn(h, w1, b1, w2, b2, g, gb, fg, fb, final_ln):
    blk = 256
    grid = (ROWS // blk,)
    vec = lambda n: pl.BlockSpec((1, n), lambda i: (0, 0))
    return pl.pallas_call(
        functools.partial(_ffn_kernel, final_ln=final_ln),
        grid=grid,
        in_specs=[
            pl.BlockSpec((blk, D_MODEL), lambda i: (i, 0)),
            pl.BlockSpec((D_MODEL, D_FF), lambda i: (0, 0)),
            vec(D_FF),
            pl.BlockSpec((D_FF, D_MODEL), lambda i: (0, 0)),
            vec(D_MODEL),
            vec(D_MODEL),
            vec(D_MODEL),
            vec(D_MODEL),
            vec(D_MODEL),
        ],
        out_specs=pl.BlockSpec((blk, D_MODEL), lambda i: (i, 0)),
        out_shape=jax.ShapeDtypeStruct((ROWS, D_MODEL), jnp.float32),
    )(h, w1, b1, w2, b2, g, gb, fg, fb)


def kernel(x, conv_w, conv_b, Wq, bq, Wk, bk, Wv, bv, Wo, bo, ln1_g, ln1_b,
           ffn1_w, ffn1_b, ffn2_w, ffn2_b, ln2_g, ln2_b, lnf_g, lnf_b):
    cnts = _CNTS
    pe = jnp.asarray(_PE)

    xprev = jnp.roll(x, 1, axis=1)
    xnext = jnp.roll(x, -1, axis=1)
    xcat = jnp.concatenate([xprev, x, xnext], axis=-1).reshape(ROWS, 3 * ENC_IN)
    w2d = conv_w.transpose(2, 1, 0).reshape(3 * ENC_IN, D_MODEL)
    h = _embed(xcat, w2d, conv_b.reshape(1, D_MODEL), pe)

    for i in range(E_LAYERS):
        wcat = jnp.concatenate([Wq[i].T, Wk[i].T, Wv[i].T], axis=1)
        bcat = jnp.concatenate([bq[i], bk[i], bv[i]]).reshape(1, 3 * D_MODEL)
        qkv = _matmul_bias(h, wcat, bcat)
        qkv4 = qkv.reshape(B, L, 3, N_HEADS, DH).transpose(2, 0, 3, 1, 4)
        ctx = _attention(qkv4[0], qkv4[1], qkv4[2], jnp.asarray(cnts[i]))
        ctx2 = ctx.transpose(0, 2, 1, 3).reshape(ROWS, D_MODEL)
        h = _proj_ln(ctx2, Wo[i].T, bo[i].reshape(1, D_MODEL), h,
                     ln1_g[i].reshape(1, D_MODEL), ln1_b[i].reshape(1, D_MODEL))
        h = _ffn(h, ffn1_w[i].T, ffn1_b[i].reshape(1, D_FF), ffn2_w[i].T,
                 ffn2_b[i].reshape(1, D_MODEL),
                 ln2_g[i].reshape(1, D_MODEL), ln2_b[i].reshape(1, D_MODEL),
                 lnf_g.reshape(1, D_MODEL), lnf_b.reshape(1, D_MODEL),
                 final_ln=(i == E_LAYERS - 1))

    return h.reshape(B, L, D_MODEL)

# --- scband reference (transcript-rebuilt; emitter-appended) ---
"""Pipeline reference for scband-informer-model-7799660609839 (READ-ONLY COPY).

The authoritative reference and input builder live on the scoring server;
editing this copy changes nothing except your own understanding.
"""

import jax, jax.numpy as jnp
import numpy as np
import math

B, L, ENC_IN = 2, 2048, 7
D_MODEL, N_HEADS, E_LAYERS, D_FF = 768, 12, 2, 3072
FACTOR = 5


def _positional_encoding(length, d_model):
    position = np.arange(length, dtype=np.float32)[:, None]
    div_term = np.exp(np.arange(0, d_model, 2, dtype=np.float32) * (-math.log(10000.0) / d_model))
    pe = np.zeros((length, d_model), dtype=np.float32)
    pe[:, 0::2] = np.sin(position * div_term)
    pe[:, 1::2] = np.cos(position * div_term)
    return jnp.asarray(pe)


def setup_inputs(seed: int = 0) -> dict:
    key = jax.random.key(seed)
    ks = jax.random.split(key, 16)
    s = 0.02
    inp = {
        "x": jax.random.normal(ks[0], (B, L, ENC_IN), dtype=jnp.float32),
        "conv_w": jax.random.normal(ks[1], (D_MODEL, ENC_IN, 3), dtype=jnp.float32) * s,
        "conv_b": jnp.zeros((D_MODEL,), dtype=jnp.float32),
        "Wq": jax.random.normal(ks[2], (E_LAYERS, D_MODEL, D_MODEL), dtype=jnp.float32) * s,
        "bq": jnp.zeros((E_LAYERS, D_MODEL), dtype=jnp.float32),
        "Wk": jax.random.normal(ks[3], (E_LAYERS, D_MODEL, D_MODEL), dtype=jnp.float32) * s,
        "bk": jnp.zeros((E_LAYERS, D_MODEL), dtype=jnp.float32),
        "Wv": jax.random.normal(ks[4], (E_LAYERS, D_MODEL, D_MODEL), dtype=jnp.float32) * s,
        "bv": jnp.zeros((E_LAYERS, D_MODEL), dtype=jnp.float32),
        "Wo": jax.random.normal(ks[5], (E_LAYERS, D_MODEL, D_MODEL), dtype=jnp.float32) * s,
        "bo": jnp.zeros((E_LAYERS, D_MODEL), dtype=jnp.float32),
        "ln1_g": jnp.ones((E_LAYERS, D_MODEL), dtype=jnp.float32),
        "ln1_b": jnp.zeros((E_LAYERS, D_MODEL), dtype=jnp.float32),
        "ffn1_w": jax.random.normal(ks[6], (E_LAYERS, D_FF, D_MODEL), dtype=jnp.float32) * s,
        "ffn1_b": jnp.zeros((E_LAYERS, D_FF), dtype=jnp.float32),
        "ffn2_w": jax.random.normal(ks[7], (E_LAYERS, D_MODEL, D_FF), dtype=jnp.float32) * s,
        "ffn2_b": jnp.zeros((E_LAYERS, D_MODEL), dtype=jnp.float32),
        "ln2_g": jnp.ones((E_LAYERS, D_MODEL), dtype=jnp.float32),
        "ln2_b": jnp.zeros((E_LAYERS, D_MODEL), dtype=jnp.float32),
        "lnf_g": jnp.ones((D_MODEL,), dtype=jnp.float32),
        "lnf_b": jnp.zeros((D_MODEL,), dtype=jnp.float32),
    }
    return inp


def _layer_norm(x, g, b):
    m = jnp.mean(x, axis=-1, keepdims=True)
    v = jnp.var(x, axis=-1, keepdims=True)
    return (x - m) / jnp.sqrt(v + 1e-5) * g + b


def _prob_attention(q, k, v, layer_key):
    # q,k,v: [B, H, L, Dh]; Informer encoder ProbSparse self-attention (mask_flag=False)
    Bq, H, Lq, Dh = q.shape
    Lk = k.shape[2]
    u = int(min(FACTOR * math.ceil(math.log(Lq)), Lq))
    sample_k = int(min(FACTOR * math.ceil(math.log(Lk)), Lk))
    # random key sampling per query (torch.randint analogue, fixed key for determinism)
    index_sample = jax.random.randint(layer_key, (Lq, sample_k), 0, Lk)
    K_sample = k[:, :, index_sample, :]  # [B,H,Lq,sample_k,Dh] gather
    Q_K_sample = jnp.einsum('bhld,bhlsd->bhls', q, K_sample)
    # sparsity measure M = max - mean
    M = jnp.max(Q_K_sample, axis=-1) - jnp.sum(Q_K_sample, axis=-1) / Lk
    _, M_top = jax.lax.top_k(M, u)  # [B,H,u]
    Q_reduce = jnp.take_along_axis(q, M_top[..., None], axis=2)  # [B,H,u,Dh]
    scores = jnp.einsum('bhud,bhsd->bhus', Q_reduce, k) * (1.0 / math.sqrt(Dh))
    # initial context: mean of V broadcast over queries (mask_flag=False path)
    context = jnp.broadcast_to(jnp.mean(v, axis=2, keepdims=True), (Bq, H, Lq, Dh))
    attnw = jax.nn.softmax(scores, axis=-1)
    upd = jnp.einsum('bhus,bhsd->bhud', attnw, v)
    bidx = jnp.arange(Bq)[:, None, None]
    hidx = jnp.arange(H)[None, :, None]
    context = context.at[bidx, hidx, M_top].set(upd)  # scatter-overwrite top-u query rows
    return context


def _forward(x, conv_w, conv_b, Wq, bq, Wk, bk, Wv, bv, Wo, bo, ln1_g, ln1_b, ffn1_w, ffn1_b, ffn2_w, ffn2_b, ln2_g, ln2_b, lnf_g, lnf_b):
    Bx, Lx, _ = x.shape
    # TokenEmbedding: Conv1d(kernel=3, circular padding)
    xt = jnp.transpose(x, (0, 2, 1))
    xp = jnp.concatenate([xt[:, :, -1:], xt, xt[:, :, :1]], axis=-1)
    emb = jax.lax.conv_general_dilated(xp, conv_w, (1,), 'VALID', dimension_numbers=('NCH', 'OIH', 'NCH'))
    emb = emb + conv_b[None, :, None]
    h = jnp.transpose(emb, (0, 2, 1)) + _positional_encoding(Lx, D_MODEL)[None]
    Dh = D_MODEL // N_HEADS
    base_key = jax.random.key(42)
    for i in range(E_LAYERS):
        q = (h @ Wq[i].T + bq[i]).reshape(Bx, Lx, N_HEADS, Dh).transpose(0, 2, 1, 3)
        k = (h @ Wk[i].T + bk[i]).reshape(Bx, Lx, N_HEADS, Dh).transpose(0, 2, 1, 3)
        v = (h @ Wv[i].T + bv[i]).reshape(Bx, Lx, N_HEADS, Dh).transpose(0, 2, 1, 3)
        ctx = _prob_attention(q, k, v, jax.random.fold_in(base_key, i))
        out = ctx.transpose(0, 2, 1, 3).reshape(Bx, Lx, D_MODEL) @ Wo[i].T + bo[i]
        h = _layer_norm(h + out, ln1_g[i], ln1_b[i])
        y = jax.nn.relu(h @ ffn1_w[i].T + ffn1_b[i]) @ ffn2_w[i].T + ffn2_b[i]
        h = _layer_norm(h + y, ln2_g[i], ln2_b[i])
    return _layer_norm(h, lnf_g, lnf_b)


def reference(x, conv_w, conv_b, Wq, bq, Wk, bk, Wv, bv, Wo, bo, ln1_g, ln1_b, ffn1_w, ffn1_b, ffn2_w, ffn2_b, ln2_g, ln2_b, lnf_g, lnf_b):
    return _forward(x=x, conv_w=conv_w, conv_b=conv_b, Wq=Wq, bq=bq, Wk=Wk, bk=bk, Wv=Wv, bv=bv, Wo=Wo, bo=bo, ln1_g=ln1_g, ln1_b=ln1_b, ffn1_w=ffn1_w, ffn1_b=ffn1_b, ffn2_w=ffn2_w, ffn2_b=ffn2_b, ln2_g=ln2_g, ln2_b=ln2_b, lnf_g=lnf_g, lnf_b=lnf_b)

if __name__ == "__main__":
    import jax
    _d = setup_inputs()
    print(jax.jit(kernel)(*tuple(_d.values())))

</pallas_src>

<mosaic_0001>
module attributes {stable_mosaic.version = 14 : i64} {
  func.func @_embed_kernel(%arg0: i32, %arg1: memref<512x21xf32, #tpu.memory_space<vmem>>, %arg2: memref<21x768xf32, #tpu.memory_space<vmem>>, %arg3: memref<1x768xf32, #tpu.memory_space<vmem>>, %arg4: memref<512x768xf32, #tpu.memory_space<vmem>>, %arg5: memref<512x768xf32, #tpu.memory_space<vmem>>) attributes {dimension_semantics = [#tpu.dimension_semantics<arbitrary>], iteration_bounds = array<i64: 8>, scalar_prefetch = 0 : i64, scratch_operands = 0 : i64, tpu.core_type = #tpu.core_type<tc>, window_params = [{transform_indices = @transform_0, window_bounds = array<i64: 512, 21>}, {pipeline_mode = #tpu.pipeline_mode<synchronous>, transform_indices = @transform_1, window_bounds = array<i64: 21, 768>}, {pipeline_mode = #tpu.pipeline_mode<synchronous>, transform_indices = @transform_2, window_bounds = array<i64: 1, 768>}, {transform_indices = @transform_3, window_bounds = array<i64: 512, 768>}, {transform_indices = @transform_4, window_bounds = array<i64: 512, 768>}]} {
    %get3A = arith.constant 0 : index
    %get3A_0 = arith.constant 0 : index
    %get3A_1 = vector.load %arg1[%get3A, %get3A_0] : memref<512x21xf32, #tpu.memory_space<vmem>>, vector<512x21xf32>
    %get3A_2 = arith.constant 0 : index
    %get3A_3 = arith.constant 0 : index
    %get3A_4 = vector.load %arg2[%get3A_2, %get3A_3] : memref<21x768xf32, #tpu.memory_space<vmem>>, vector<21x768xf32>
    %dot_general3A = arith.constant dense<0.000000e+00> : vector<512x768xf32>
    %dot_general3A_5 = tpu.matmul %get3A_1, %get3A_4, %dot_general3A {dimension_numbers = #tpu.dot_dimension_numbers<[1], [0], [0], [1], [0, 0, 1, 1], [], []>, transpose_lhs_hint = false} : vector<512x21xf32>, vector<21x768xf32>, vector<512x768xf32> -> vector<512x768xf32>
    %get3A_6 = arith.constant 0 : index
    %get3A_7 = arith.constant 0 : index
    %get3A_8 = vector.load %arg3[%get3A_6, %get3A_7] : memref<1x768xf32, #tpu.memory_space<vmem>>, vector<1x768xf32>
    %add3A = vector.broadcast %get3A_8 : vector<1x768xf32> to vector<512x768xf32>
    %add3A_9 = arith.addf %dot_general3A_5, %add3A : vector<512x768xf32>
    %get3A_10 = arith.constant 0 : index
    %get3A_11 = arith.constant 0 : index
    %get3A_12 = vector.load %arg4[%get3A_10, %get3A_11] : memref<512x768xf32, #tpu.memory_space<vmem>>, vector<512x768xf32>
    %add3A_13 = arith.addf %add3A_9, %get3A_12 : vector<512x768xf32>
    %swap3A = arith.constant 0 : index
    %swap3A_14 = arith.constant 0 : index
    %swap3A_15 = vector.load %arg5[%swap3A, %swap3A_14] : memref<512x768xf32, #tpu.memory_space<vmem>>, vector<512x768xf32>
    tpu.vector_store %arg5[%swap3A, %swap3A_14], %add3A_13 {strides = array<i32>} : memref<512x768xf32, #tpu.memory_space<vmem>>, vector<512x768xf32>,
    return
  }
  func.func @transform_0(%arg0: i32) -> (i32, i32) {
    %c0_i32 = arith.constant 0 : i32
    %c0_i32_0 = arith.constant 0 : i32
    return %arg0, %c0_i32 : i32, i32
  }
  func.func @transform_1(%arg0: i32) -> (i32, i32) {
    %c0_i32 = arith.constant 0 : i32
    %c0_i32_0 = arith.constant 0 : i32
    %c0_i32_1 = arith.constant 0 : i32
    return %c0_i32, %c0_i32_0 : i32, i32
  }
  func.func @transform_2(%arg0: i32) -> (i32, i32) {
    %c0_i32 = arith.constant 0 : i32
    %c0_i32_0 = arith.constant 0 : i32
    %c0_i32_1 = arith.constant 0 : i32
    return %c0_i32, %c0_i32_0 : i32, i32
  }
  func.func @transform_3(%arg0: i32) -> (i32, i32) {
    %jit3A = arith.constant 4 : i32
    %eq3A = arith.constant 0 : i32
    %eq3A_0 = arith.cmpi eq, %jit3A, %eq3A : i32
    %jit3A_1 = arith.constant 1 : i32
    %select_n3A = arith.select %eq3A_0, %jit3A_1, %jit3A : i32
    %rem3A = arith.remsi %arg0, %select_n3A : i32
    %ne3A = arith.constant 0 : i32
    %ne3A_2 = arith.cmpi ne, %rem3A, %ne3A : i32
    %lt3A = arith.constant 0 : i32
    %lt3A_3 = arith.cmpi slt, %rem3A, %lt3A : i32
    %lt3A_4 = arith.constant 0 : i32
    %lt3A_5 = arith.cmpi slt, %select_n3A, %lt3A_4 : i32
    %ne3A_6 = arith.xori %lt3A_3, %lt3A_5 : i1
    %and3A = arith.andi %ne3A_6, %ne3A_2 : i1
    %add3A = arith.addi %rem3A, %select_n3A : i32
    %select_n3A_7 = arith.select %and3A, %add3A, %rem3A : i32
    %c0_i32 = arith.constant 0 : i32
    %c0_i32_8 = arith.constant 0 : i32
    return %select_n3A_7, %c0_i32 : i32, i32
  }
  func.func @transform_4(%arg0: i32) -> (i32, i32) {
    %c0_i32 = arith.constant 0 : i32
    %c0_i32_0 = arith.constant 0 : i32
    return %arg0, %c0_i32 : i32, i32
  }
}

module attributes {stable_mosaic.version = 14 : i64} {
  func.func @_matmul_bias_kernel(%arg0: i32, %arg1: memref<512x768xf32, #tpu.memory_space<vmem>>, %arg2: memref<768x2304xf32, #tpu.memory_space<vmem>>, %arg3: memref<1x2304xf32, #tpu.memory_space<vmem>>, %arg4: memref<512x2304xf32, #tpu.memory_space<vmem>>) attributes {dimension_semantics = [#tpu.dimension_semantics<arbitrary>], iteration_bounds = array<i64: 8>, scalar_prefetch = 0 : i64, scratch_operands = 0 : i64, tpu.core_type = #tpu.core_type<tc>, window_params = [{transform_indices = @transform_0, window_bounds = array<i64: 512, 768>}, {pipeline_mode = #tpu.pipeline_mode<synchronous>, transform_indices = @transform_1, window_bounds = array<i64: 768, 2304>}, {pipeline_mode = #tpu.pipeline_mode<synchronous>, transform_indices = @transform_2, window_bounds = array<i64: 1, 2304>}, {transform_indices = @transform_3, window_bounds = array<i64: 512, 2304>}]} {
    %get3A = arith.constant 0 : index
    %get3A_0 = arith.constant 0 : index
    %get3A_1 = vector.load %arg1[%get3A, %get3A_0] : memref<512x768xf32, #tpu.memory_space<vmem>>, vector<512x768xf32>
    %get3A_2 = arith.constant 0 : index
    %get3A_3 = arith.constant 0 : index
    %get3A_4 = vector.load %arg2[%get3A_2, %get3A_3] : memref<768x2304xf32, #tpu.memory_space<vmem>>, vector<768x2304xf32>
    %dot_general3A = arith.constant dense<0.000000e+00> : vector<512x2304xf32>
    %dot_general3A_5 = tpu.matmul %get3A_1, %get3A_4, %dot_general3A {dimension_numbers = #tpu.dot_dimension_numbers<[1], [0], [0], [1], [0, 0, 1, 1], [], []>, transpose_lhs_hint = false} : vector<512x768xf32>, vector<768x2304xf32>, vector<512x2304xf32> -> vector<512x2304xf32>
    %get3A_6 = arith.constant 0 : index
    %get3A_7 = arith.constant 0 : index
    %get3A_8 = vector.load %arg3[%get3A_6, %get3A_7] : memref<1x2304xf32, #tpu.memory_space<vmem>>, vector<1x2304xf32>
    %add3A = vector.broadcast %get3A_8 : vector<1x2304xf32> to vector<512x2304xf32>
    %add3A_9 = arith.addf %dot_general3A_5, %add3A : vector<512x2304xf32>
    %swap3A = arith.constant 0 : index
    %swap3A_10 = arith.constant 0 : index
    %swap3A_11 = vector.load %arg4[%swap3A, %swap3A_10] : memref<512x2304xf32, #tpu.memory_space<vmem>>, vector<512x2304xf32>
    tpu.vector_store %arg4[%swap3A, %swap3A_10], %add3A_9 {strides = array<i32>} : memref<512x2304xf32, #tpu.memory_space<vmem>>, vector<512x2304xf32>,
    return
  }
  func.func @transform_0(%arg0: i32) -> (i32, i32) {
    %c0_i32 = arith.constant 0 : i32
    %c0_i32_0 = arith.constant 0 : i32
    return %arg0, %c0_i32 : i32, i32
  }
  func.func @transform_1(%arg0: i32) -> (i32, i32) {
    %c0_i32 = arith.constant 0 : i32
    %c0_i32_0 = arith.constant 0 : i32
    %c0_i32_1 = arith.constant 0 : i32
    return %c0_i32, %c0_i32_0 : i32, i32
  }
  func.func @transform_2(%arg0: i32) -> (i32, i32) {
    %c0_i32 = arith.constant 0 : i32
    %c0_i32_0 = arith.constant 0 : i32
    %c0_i32_1 = arith.constant 0 : i32
    return %c0_i32, %c0_i32_0 : i32, i32
  }
  func.func @transform_3(%arg0: i32) -> (i32, i32) {
    %c0_i32 = arith.constant 0 : i32
    %c0_i32_0 = arith.constant 0 : i32
    return %arg0, %c0_i32 : i32, i32
  }
}

module attributes {stable_mosaic.version = 14 : i64} {
  func.func @_attn_kernel(%arg0: i32, %arg1: i32, %arg2: memref<1x1x2048x64xf32, #tpu.memory_space<vmem>>, %arg3: memref<1x1x2048x64xf32, #tpu.memory_space<vmem>>, %arg4: memref<1x1x2048x64xf32, #tpu.memory_space<vmem>>, %arg5: memref<2048x2048xi8, #tpu.memory_space<vmem>>, %arg6: memref<1x1x2048x64xf32, #tpu.memory_space<vmem>>, %arg7: memref<40x2048xf32, #tpu.memory_space<vmem>>) attributes {dimension_semantics = [#tpu.dimension_semantics<arbitrary>, #tpu.dimension_semantics<arbitrary>], iteration_bounds = array<i64: 2, 12>, scalar_prefetch = 0 : i64, scratch_operands = 1 : i64, tpu.core_type = #tpu.core_type<tc>, window_params = [{transform_indices = @transform_0, window_bounds = array<i64: 1, 1, 2048, 64>}, {transform_indices = @transform_1, window_bounds = array<i64: 1, 1, 2048, 64>}, {transform_indices = @transform_2, window_bounds = array<i64: 1, 1, 2048, 64>}, {pipeline_mode = #tpu.pipeline_mode<synchronous>, transform_indices = @transform_3, window_bounds = array<i64: 2048, 2048>}, {transform_indices = @transform_4, window_bounds = array<i64: 1, 1, 2048, 64>}]} {
    %get3A = arith.constant 0 : index
    %get3A_0 = arith.constant 0 : index
    %get3A_1 = arith.constant 0 : index
    %get3A_2 = arith.constant 0 : index
    %get3A_3 = vector.load %arg2[%get3A, %get3A_0, %get3A_1, %get3A_2] : memref<1x1x2048x64xf32, #tpu.memory_space<vmem>>, vector<1x1x2048x64xf32>
    %get3A_4 = vector.shape_cast %get3A_3 : vector<1x1x2048x64xf32> to vector<2048x64xf32>
    %get3A_5 = arith.constant 0 : index
    %get3A_6 = arith.constant 0 : index
    %get3A_7 = arith.constant 0 : index
    %get3A_8 = arith.constant 0 : index
    %get3A_9 = vector.load %arg3[%get3A_5, %get3A_6, %get3A_7, %get3A_8] : memref<1x1x2048x64xf32, #tpu.memory_space<vmem>>, vector<1x1x2048x64xf32>
    %get3A_10 = vector.shape_cast %get3A_9 : vector<1x1x2048x64xf32> to vector<2048x64xf32>
    %get3A_11 = arith.constant 0 : index
    %get3A_12 = arith.constant 0 : index
    %get3A_13 = arith.constant 0 : index
    %get3A_14 = arith.constant 0 : index
    %get3A_15 = vector.load %arg4[%get3A_11, %get3A_12, %get3A_13, %get3A_14] : memref<1x1x2048x64xf32, #tpu.memory_space<vmem>>, vector<1x1x2048x64xf32>
    %get3A_16 = vector.shape_cast %get3A_15 : vector<1x1x2048x64xf32> to vector<2048x64xf32>
    %slice3A = vector.extract_strided_slice %get3A_4 {offsets = [0, 0], sizes = [512, 64], strides = [1, 1]} : vector<2048x64xf32> to vector<512x64xf32>
    %dot_general3A = arith.constant dense<0.000000e+00> : vector<2048x512xf32>
    %dot_general3A_17 = tpu.matmul %get3A_10, %slice3A, %dot_general3A {dimension_numbers = #tpu.dot_dimension_numbers<[1], [1], [0], [0], [0, 0, 1, 0], [], []>, transpose_lhs_hint = false} : vector<2048x64xf32>, vector<512x64xf32>, vector<2048x512xf32> -> vector<2048x512xf32>
    %get3A_18 = arith.constant 0 : index
    %get3A_19 = arith.constant 0 : index
    %get3A_20 = vector.load %arg5[%get3A_18, %get3A_19] : memref<2048x2048xi8, #tpu.memory_space<vmem>>, vector<2048x512xi8>
    %convert_element_type3A = arith.sitofp %get3A_20 : vector<2048x512xi8> to vector<2048x512xf32>
    %gt3A = arith.constant 0.000000e+00 : f32
    %gt3A_21 = vector.broadcast %gt3A : f32 to vector<2048x512xf32>
    %gt3A_22 = arith.cmpf ogt, %convert_element_type3A, %gt3A_21 : vector<2048x512xf32>
    %jit3A = arith.constant -3.000000e+38 : f32
    %broadcast_in_dim3A = vector.broadcast %jit3A : f32 to vector<2048x512xf32>
    %select_n3A = arith.select %gt3A_22, %dot_general3A_17, %broadcast_in_dim3A : vector<2048x512xi1>, vector<2048x512xf32>
    %reduce_max3A = arith.constant dense<0xFF800000> : vector<512xf32>
    %reduce_max3A_23 = vector.multi_reduction <maximumf>, %select_n3A, %reduce_max3A [0] : vector<2048x512xf32> to vector<512xf32>
    %broadcast_in_dim3A_24 = vector.shape_cast %reduce_max3A_23 : vector<512xf32> to vector<1x512xf32>
    %mul3A = arith.mulf %dot_general3A_17, %convert_element_type3A : vector<2048x512xf32>
    %reduce_sum3A = arith.constant dense<0.000000e+00> : vector<512xf32>
    %reduce_sum3A_25 = vector.multi_reduction <add>, %mul3A, %reduce_sum3A [0] : vector<2048x512xf32> to vector<512xf32>
    %broadcast_in_dim3A_26 = vector.shape_cast %reduce_sum3A_25 : vector<512xf32> to vector<1x512xf32>
    %mul3A_27 = arith.constant 4.8828125E-4 : f32
    %mul3A_28 = vector.broadcast %mul3A_27 : f32 to vector<1x512xf32>
    %mul3A_29 = arith.mulf %broadcast_in_dim3A_26, %mul3A_28 : vector<1x512xf32>
    %sub3A = arith.subf %broadcast_in_dim3A_24, %mul3A_29 : vector<1x512xf32>
    %slice3A_30 = vector.extract_strided_slice %get3A_4 {offsets = [512, 0], sizes = [512, 64], strides = [1, 1]} : vector<2048x64xf32> to vector<512x64xf32>
    %dot_general3A_31 = arith.constant dense<0.000000e+00> : vector<2048x512xf32>
    %dot_general3A_32 = tpu.matmul %get3A_10, %slice3A_30, %dot_general3A_31 {dimension_numbers = #tpu.dot_dimension_numbers<[1], [1], [0], [0], [0, 0, 1, 0], [], []>, transpose_lhs_hint = false} : vector<2048x64xf32>, vector<512x64xf32>, vector<2048x512xf32> -> vector<2048x512xf32>
    %get3A_33 = arith.constant 0 : index
    %get3A_34 = arith.constant 512 : index
    %get3A_35 = vector.load %arg5[%get3A_33, %get3A_34] : memref<2048x2048xi8, #tpu.memory_space<vmem>>, vector<2048x512xi8>
    %convert_element_type3A_36 = arith.sitofp %get3A_35 : vector<2048x512xi8> to vector<2048x512xf32>
    %gt3A_37 = arith.constant 0.000000e+00 : f32
    %gt3A_38 = vector.broadcast %gt3A_37 : f32 to vector<2048x512xf32>
    %gt3A_39 = arith.cmpf ogt, %convert_element_type3A_36, %gt3A_38 : vector<2048x512xf32>
    %jit3A_40 = arith.constant -3.000000e+38 : f32
    %broadcast_in_dim3A_41 = vector.broadcast %jit3A_40 : f32 to vector<2048x512xf32>
    %select_n3A_42 = arith.select %gt3A_39, %dot_general3A_32, %broadcast_in_dim3A_41 : vector<2048x512xi1>, vector<2048x512xf32>
    %reduce_max3A_43 = arith.constant dense<0xFF800000> : vector<512xf32>
    %reduce_max3A_44 = vector.multi_reduction <maximumf>, %select_n3A_42, %reduce_max3A_43 [0] : vector<2048x512xf32> to vector<512xf32>
    %broadcast_in_dim3A_45 = vector.shape_cast %reduce_max3A_44 : vector<512xf32> to vector<1x512xf32>
    %mul3A_46 = arith.mulf %dot_general3A_32, %convert_element_type3A_36 : vector<2048x512xf32>
    %reduce_sum3A_47 = arith.constant dense<0.000000e+00> : vector<512xf32>
    %reduce_sum3A_48 = vector.multi_reduction <add>, %mul3A_46, %reduce_sum3A_47 [0] : vector<2048x512xf32> to vector<512xf32>
    %broadcast_in_dim3A_49 = vector.shape_cast %reduce_sum3A_48 : vector<512xf32> to vector<1x512xf32>
    %mul3A_50 = arith.constant 4.8828125E-4 : f32
    %mul3A_51 = vector.broadcast %mul3A_50 : f32 to vector<1x512xf32>
    %mul3A_52 = arith.mulf %broadcast_in_dim3A_49, %mul3A_51 : vector<1x512xf32>
    %sub3A_53 = arith.subf %broadcast_in_dim3A_45, %mul3A_52 : vector<1x512xf32>
    %slice3A_54 = vector.extract_strided_slice %get3A_4 {offsets = [1024, 0], sizes = [512, 64], strides = [1, 1]} : vector<2048x64xf32> to vector<512x64xf32>
    %dot_general3A_55 = arith.constant dense<0.000000e+00> : vector<2048x512xf32>
    %dot_general3A_56 = tpu.matmul %get3A_10, %slice3A_54, %dot_general3A_55 {dimension_numbers = #tpu.dot_dimension_numbers<[1], [1], [0], [0], [0, 0, 1, 0], [], []>, transpose_lhs_hint = false} : vector<2048x64xf32>, vector<512x64xf32>, vector<2048x512xf32> -> vector<2048x512xf32>
    %get3A_57 = arith.constant 0 : index
    %get3A_58 = arith.constant 1024 : index
    %get3A_59 = vector.load %arg5[%get3A_57, %get3A_58] : memref<2048x2048xi8, #tpu.memory_space<vmem>>, vector<2048x512xi8>
    %convert_element_type3A_60 = arith.sitofp %get3A_59 : vector<2048x512xi8> to vector<2048x512xf32>
    %gt3A_61 = arith.constant 0.000000e+00 : f32
    %gt3A_62 = vector.broadcast %gt3A_61 : f32 to vector<2048x512xf32>
    %gt3A_63 = arith.cmpf ogt, %convert_element_type3A_60, %gt3A_62 : vector<2048x512xf32>
    %jit3A_64 = arith.constant -3.000000e+38 : f32
    %broadcast_in_dim3A_65 = vector.broadcast %jit3A_64 : f32 to vector<2048x512xf32>
    %select_n3A_66 = arith.select %gt3A_63, %dot_general3A_56, %broadcast_in_dim3A_65 : vector<2048x512xi1>, vector<2048x512xf32>
    %reduce_max3A_67 = arith.constant dense<0xFF800000> : vector<512xf32>
    %reduce_max3A_68 = vector.multi_reduction <maximumf>, %select_n3A_66, %reduce_max3A_67 [0] : vector<2048x512xf32> to vector<512xf32>
    %broadcast_in_dim3A_69 = vector.shape_cast %reduce_max3A_68 : vector<512xf32> to vector<1x512xf32>
    %mul3A_70 = arith.mulf %dot_general3A_56, %convert_element_type3A_60 : vector<2048x512xf32>
    %reduce_sum3A_71 = arith.constant dense<0.000000e+00> : vector<512xf32>
    %reduce_sum3A_72 = vector.multi_reduction <add>, %mul3A_70, %reduce_sum3A_71 [0] : vector<2048x512xf32> to vector<512xf32>
    %broadcast_in_dim3A_73 = vector.shape_cast %reduce_sum3A_72 : vector<512xf32> to vector<1x512xf32>
    %mul3A_74 = arith.constant 4.8828125E-4 : f32
    %mul3A_75 = vector.broadcast %mul3A_74 : f32 to vector<1x512xf32>
    %mul3A_76 = arith.mulf %broadcast_in_dim3A_73, %mul3A_75 : vector<1x512xf32>
    %sub3A_77 = arith.subf %broadcast_in_dim3A_69, %mul3A_76 : vector<1x512xf32>
    %slice3A_78 = vector.extract_strided_slice %get3A_4 {offsets = [1536, 0], sizes = [512, 64], strides = [1, 1]} : vector<2048x64xf32> to vector<512x64xf32>
    %dot_general3A_79 = arith.constant dense<0.000000e+00> : vector<2048x512xf32>
    %dot_general3A_80 = tpu.matmul %get3A_10, %slice3A_78, %dot_general3A_79 {dimension_numbers = #tpu.dot_dimension_numbers<[1], [1], [0], [0], [0, 0, 1, 0], [], []>, transpose_lhs_hint = false} : vector<2048x64xf32>, vector<512x64xf32>, vector<2048x512xf32> -> vector<2048x512xf32>
    %get3A_81 = arith.constant 0 : index
    %get3A_82 = arith.constant 1536 : index
    %get3A_83 = vector.load %arg5[%get3A_81, %get3A_82] : memref<2048x2048xi8, #tpu.memory_space<vmem>>, vector<2048x512xi8>
    %convert_element_type3A_84 = arith.sitofp %get3A_83 : vector<2048x512xi8> to vector<2048x512xf32>
    %gt3A_85 = arith.constant 0.000000e+00 : f32
    %gt3A_86 = vector.broadcast %gt3A_85 : f32 to vector<2048x512xf32>
    %gt3A_87 = arith.cmpf ogt, %convert_element_type3A_84, %gt3A_86 : vector<2048x512xf32>
    %jit3A_88 = arith.constant -3.000000e+38 : f32
    %broadcast_in_dim3A_89 = vector.broadcast %jit3A_88 : f32 to vector<2048x512xf32>
    %select_n3A_90 = arith.select %gt3A_87, %dot_general3A_80, %broadcast_in_dim3A_89 : vector<2048x512xi1>, vector<2048x512xf32>
    %reduce_max3A_91 = arith.constant dense<0xFF800000> : vector<512xf32>
    %reduce_max3A_92 = vector.multi_reduction <maximumf>, %select_n3A_90, %reduce_max3A_91 [0] : vector<2048x512xf32> to vector<512xf32>
    %broadcast_in_dim3A_93 = vector.shape_cast %reduce_max3A_92 : vector<512xf32> to vector<1x512xf32>
    %mul3A_94 = arith.mulf %dot_general3A_80, %convert_element_type3A_84 : vector<2048x512xf32>
    %reduce_sum3A_95 = arith.constant dense<0.000000e+00> : vector<512xf32>
    %reduce_sum3A_96 = vector.multi_reduction <add>, %mul3A_94, %reduce_sum3A_95 [0] : vector<2048x512xf32> to vector<512xf32>
    %broadcast_in_dim3A_97 = vector.shape_cast %reduce_sum3A_96 : vector<512xf32> to vector<1x512xf32>
    %mul3A_98 = arith.constant 4.8828125E-4 : f32
    %mul3A_99 = vector.broadcast %mul3A_98 : f32 to vector<1x512xf32>
    %mul3A_100 = arith.mulf %broadcast_in_dim3A_97, %mul3A_99 : vector<1x512xf32>
    %sub3A_101 = arith.subf %broadcast_in_dim3A_93, %mul3A_100 : vector<1x512xf32>
    %concatenate3A = tpu.concatenate %sub3A, %sub3A_53, %sub3A_77, %sub3A_101 in 1 : vector<1x512xf32>, vector<1x512xf32>, vector<1x512xf32>, vector<1x512xf32> -> vector<1x2048xf32>
    %iota3A = tpu.iota {dimensions = array<i32: 1>} : vector<1x2048xi32>
    %reduce_max3A_102 = arith.constant dense<0xFF800000> : vector<1xf32>
    %reduce_max3A_103 = vector.multi_reduction <maximumf>, %concatenate3A, %reduce_max3A_102 [1] : vector<1x2048xf32> to vector<1xf32>
    %broadcast_in_dim3A_104 = vector.shape_cast %reduce_max3A_103 : vector<1xf32> to vector<1x1xf32>
    %ge3A = vector.broadcast %broadcast_in_dim3A_104 : vector<1x1xf32> to vector<1x2048xf32>
    %ge3A_105 = arith.cmpf oge, %concatenate3A, %ge3A : vector<1x2048xf32>
    %jit3A_106 = arith.constant 2048 : i32
    %broadcast_in_dim3A_107 = vector.broadcast %jit3A_106 : i32 to vector<1x2048xi32>
    %select_n3A_108 = arith.select %ge3A_105, %iota3A, %broadcast_in_dim3A_107 : vector<1x2048xi1>, vector<1x2048xi32>
    %reduce_min3A = arith.constant dense<2147483647> : vector<1xi32>
    %reduce_min3A_109 = vector.multi_reduction <minsi>, %select_n3A_108, %reduce_min3A [1] : vector<1x2048xi32> to vector<1xi32>
    %broadcast_in_dim3A_110 = vector.shape_cast %reduce_min3A_109 : vector<1xi32> to vector<1x1xi32>
    %eq3A = vector.broadcast %broadcast_in_dim3A_110 : vector<1x1xi32> to vector<1x2048xi32>
    %eq3A_111 = arith.cmpi eq, %iota3A, %eq3A : vector<1x2048xi32>
    %convert_element_type3A_112 = arith.extui %eq3A_111 : vector<1x2048xi1> to vector<1x2048xi32>
    %convert_element_type3A_113 = arith.sitofp %convert_element_type3A_112 : vector<1x2048xi32> to vector<1x2048xf32>
    %swap3A = arith.constant 0 : index
    %swap3A_114 = arith.constant 0 : index
    %swap3A_115 = vector.load %arg7[%swap3A, %swap3A_114] : memref<40x2048xf32, #tpu.memory_space<vmem>>, vector<1x2048xf32>
    tpu.vector_store %arg7[%swap3A, %swap3A_114], %convert_element_type3A_113 {strides = array<i32>} : memref<40x2048xf32, #tpu.memory_space<vmem>>, vector<1x2048xf32>,
    %jit3A_116 = arith.constant -3.000000e+38 : f32
    %broadcast_in_dim3A_117 = vector.broadcast %jit3A_116 : f32 to vector<1x2048xf32>
    %select_n3A_118 = arith.select %eq3A_111, %broadcast_in_dim3A_117, %concatenate3A : vector<1x2048xi1>, vector<1x2048xf32>
    %reduce_max3A_119 = arith.constant dense<0xFF800000> : vector<1xf32>
    %reduce_max3A_120 = vector.multi_reduction <maximumf>, %select_n3A_118, %reduce_max3A_119 [1] : vector<1x2048xf32> to vector<1xf32>
    %broadcast_in_dim3A_121 = vector.shape_cast %reduce_max3A_120 : vector<1xf32> to vector<1x1xf32>
    %ge3A_122 = vector.broadcast %broadcast_in_dim3A_121 : vector<1x1xf32> to vector<1x2048xf32>
    %ge3A_123 = arith.cmpf oge, %select_n3A_118, %ge3A_122 : vector<1x2048xf32>
    %jit3A_124 = arith.constant 2048 : i32
    %broadcast_in_dim3A_125 = vector.broadcast %jit3A_124 : i32 to vector<1x2048xi32>
    %select_n3A_126 = arith.select %ge3A_123, %iota3A, %broadcast_in_dim3A_125 : vector<1x2048xi1>, vector<1x2048xi32>
    %reduce_min3A_127 = arith.constant dense<2147483647> : vector<1xi32>
    %reduce_min3A_128 = vector.multi_reduction <minsi>, %select_n3A_126, %reduce_min3A_127 [1] : vector<1x2048xi32> to vector<1xi32>
    %broadcast_in_dim3A_129 = vector.shape_cast %reduce_min3A_128 : vector<1xi32> to vector<1x1xi32>
    %eq3A_130 = vector.broadcast %broadcast_in_dim3A_129 : vector<1x1xi32> to vector<1x2048xi32>
    %eq3A_131 = arith.cmpi eq, %iota3A, %eq3A_130 : vector<1x2048xi32>
    %convert_element_type3A_132 = arith.extui %eq3A_131 : vector<1x2048xi1> to vector<1x2048xi32>
    %convert_element_type3A_133 = arith.sitofp %convert_element_type3A_132 : vector<1x2048xi32> to vector<1x2048xf32>
    %swap3A_134 = arith.constant 1 : index
    %swap3A_135 = arith.constant 0 : index
    %swap3A_136 = vector.load %arg7[%swap3A_134, %swap3A_135] : memref<40x2048xf32, #tpu.memory_space<vmem>>, vector<1x2048xf32>
    tpu.vector_store %arg7[%swap3A_134, %swap3A_135], %convert_element_type3A_133 {strides = array<i32>} : memref<40x2048xf32, #tpu.memory_space<vmem>>, vector<1x2048xf32>,
    %jit3A_137 = arith.constant -3.000000e+38 : f32
    %broadcast_in_dim3A_138 = vector.broadcast %jit3A_137 : f32 to vector<1x2048xf32>
    %select_n3A_139 = arith.select %eq3A_131, %broadcast_in_dim3A_138, %select_n3A_118 : vector<1x2048xi1>, vector<1x2048xf32>
    %reduce_max3A_140 = arith.constant dense<0xFF800000> : vector<1xf32>
    %reduce_max3A_141 = vector.multi_reduction <maximumf>, %select_n3A_139, %reduce_max3A_140 [1] : vector<1x2048xf32> to vector<1xf32>
    %broadcast_in_dim3A_142 = vector.shape_cast %reduce_max3A_141 : vector<1xf32> to vector<1x1xf32>
    %ge3A_143 = vector.broadcast %broadcast_in_dim3A_142 : vector<1x1xf32> to vector<1x2048xf32>
    %ge3A_144 = arith.cmpf oge, %select_n3A_139, %ge3A_143 : vector<1x2048xf32>
    %jit3A_145 = arith.constant 2048 : i32
    %broadcast_in_dim3A_146 = vector.broadcast %jit3A_145 : i32 to vector<1x2048xi32>
    %select_n3A_147 = arith.select %ge3A_144, %iota3A, %broadcast_in_dim3A_146 : vector<1x2048xi1>, vector<1x2048xi32>
    %reduce_min3A_148 = arith.constant dense<2147483647> : vector<1xi32>
    %reduce_min3A_149 = vector.multi_reduction <minsi>, %select_n3A_147, %reduce_min3A_148 [1] : vector<1x2048xi32> to vector<1xi32>
    %broadcast_in_dim3A_150 = vector.shape_cast %reduce_min3A_149 : vector<1xi32> to vector<1x1xi32>
    %eq3A_151 = vector.broadcast %broadcast_in_dim3A_150 : vector<1x1xi32> to vector<1x2048xi32>
    %eq3A_152 = arith.cmpi eq, %iota3A, %eq3A_151 : vector<1x2048xi32>
    %convert_element_type3A_153 = arith.extui %eq3A_152 : vector<1x2048xi1> to vector<1x2048xi32>
    %convert_element_type3A_154 = arith.sitofp %convert_element_type3A_153 : vector<1x2048xi32> to vector<1x2048xf32>
    %swap3A_155 = arith.constant 2 : index
    %swap3A_156 = arith.constant 0 : index
    %swap3A_157 = vector.load %arg7[%swap3A_155, %swap3A_156] : memref<40x2048xf32, #tpu.memory_space<vmem>>, vector<1x2048xf32>
    tpu.vector_store %arg7[%swap3A_155, %swap3A_156], %convert_element_type3A_154 {strides = array<i32>} : memref<40x2048xf32, #tpu.memory_space<vmem>>, vector<1x2048xf32>,
    %jit3A_158 = arith.constant -3.000000e+38 : f32
    %broadcast_in_dim3A_159 = vector.broadcast %jit3A_158 : f32 to vector<1x2048xf32>
    %select_n3A_160 = arith.select %eq3A_152, %broadcast_in_dim3A_159, %select_n3A_139 : vector<1x2048xi1>, vector<1x2048xf32>
    %reduce_max3A_161 = arith.constant dense<0xFF800000> : vector<1xf32>
    %reduce_max3A_162 = vector.multi_reduction <maximumf>, %select_n3A_160, %reduce_max3A_161 [1] : vector<1x2048xf32> to vector<1xf32>
    %broadcast_in_dim3A_163 = vector.shape_cast %reduce_max3A_162 : vector<1xf32> to vector<1x1xf32>
    %ge3A_164 = vector.broadcast %broadcast_in_dim3A_163 : vector<1x1xf32> to vector<1x2048xf32>
    %ge3A_165 = arith.cmpf oge, %select_n3A_160, %ge3A_164 : vector<1x2048xf32>
    %jit3A_166 = arith.constant 2048 : i32
    %broadcast_in_dim3A_167 = vector.broadcast %jit3A_166 : i32 to vector<1x2048xi32>
    %select_n3A_168 = arith.select %ge3A_165, %iota3A, %broadcast_in_dim3A_167 : vector<1x2048xi1>, vector<1x2048xi32>
    %reduce_min3A_169 = arith.constant dense<2147483647> : vector<1xi32>
    %reduce_min3A_170 = vector.multi_reduction <minsi>, %select_n3A_168, %reduce_min3A_169 [1] : vector<1x2048xi32> to vector<1xi32>
    %broadcast_in_dim3A_171 = vector.shape_cast %reduce_min3A_170 : vector<1xi32> to vector<1x1xi32>
    %eq3A_172 = vector.broadcast %broadcast_in_dim3A_171 : vector<1x1xi32> to vector<1x2048xi32>
    %eq3A_173 = arith.cmpi eq, %iota3A, %eq3A_172 : vector<1x2048xi32>
    %convert_element_type3A_174 = arith.extui %eq3A_173 : vector<1x2048xi1> to vector<1x2048xi32>
    %convert_element_type3A_175 = arith.sitofp %convert_element_type3A_174 : vector<1x2048xi32> to vector<1x2048xf32>
    %swap3A_176 = arith.constant 3 : index
    %swap3A_177 = arith.constant 0 : index
    %swap3A_178 = vector.load %arg7[%swap3A_176, %swap3A_177] : memref<40x2048xf32, #tpu.memory_space<vmem>>, vector<1x2048xf32>
    tpu.vector_store %arg7[%swap3A_176, %swap3A_177], %convert_element_type3A_175 {strides = array<i32>} : memref<40x2048xf32, #tpu.memory_space<vmem>>, vector<1x2048xf32>,
    %jit3A_179 = arith.constant -3.000000e+38 : f32
    %broadcast_in_dim3A_180 = vector.broadcast %jit3A_179 : f32 to vector<1x2048xf32>
    %select_n3A_181 = arith.select %eq3A_173, %broadcast_in_dim3A_180, %select_n3A_160 : vector<1x2048xi1>, vector<1x2048xf32>
    %reduce_max3A_182 = arith.constant dense<0xFF800000> : vector<1xf32>
    %reduce_max3A_183 = vector.multi_reduction <maximumf>, %select_n3A_181, %reduce_max3A_182 [1] : vector<1x2048xf32> to vector<1xf32>
    %broadcast_in_dim3A_184 = vector.shape_cast %reduce_max3A_183 : vector<1xf32> to vector<1x1xf32>
    %ge3A_185 = vector.broadcast %broadcast_in_dim3A_184 : vector<1x1xf32> to vector<1x2048xf32>
    %ge3A_186 = arith.cmpf oge, %select_n3A_181, %ge3A_185 : vector<1x2048xf32>
    %jit3A_187 = arith.constant 2048 : i32
    %broadcast_in_dim3A_188 = vector.broadcast %jit3A_187 : i32 to vector<1x2048xi32>
    %select_n3A_189 = arith.select %ge3A_186, %iota3A, %broadcast_in_dim3A_188 : vector<1x2048xi1>, vector<1x2048xi32>
    %reduce_min3A_190 = arith.constant dense<2147483647> : vector<1xi32>
    %reduce_min3A_191 = vector.multi_reduction <minsi>, %select_n3A_189, %reduce_min3A_190 [1] : vector<1x2048xi32> to vector<1xi32>
    %broadcast_in_dim3A_192 = vector.shape_cast %reduce_min3A_191 : vector<1xi32> to vector<1x1xi32>
    %eq3A_193 = vector.broadcast %broadcast_in_dim3A_192 : vector<1x1xi32> to vector<1x2048xi32>
    %eq3A_194 = arith.cmpi eq, %iota3A, %eq3A_193 : vector<1x2048xi32>
    %convert_element_type3A_195 = arith.extui %eq3A_194 : vector<1x2048xi1> to vector<1x2048xi32>
    %convert_element_type3A_196 = arith.sitofp %convert_element_type3A_195 : vector<1x2048xi32> to vector<1x2048xf32>
    %swap3A_197 = arith.constant 4 : index
    %swap3A_198 = arith.constant 0 : index
    %swap3A_199 = vector.load %arg7[%swap3A_197, %swap3A_198] : memref<40x2048xf32, #tpu.memory_space<vmem>>, vector<1x2048xf32>
    tpu.vector_store %arg7[%swap3A_197, %swap3A_198], %convert_element_type3A_196 {strides = array<i32>} : memref<40x2048xf32, #tpu.memory_space<vmem>>, vector<1x2048xf32>,
    %jit3A_200 = arith.constant -3.000000e+38 : f32
    %broadcast_in_dim3A_201 = vector.broadcast %jit3A_200 : f32 to vector<1x2048xf32>
    %select_n3A_202 = arith.select %eq3A_194, %broadcast_in_dim3A_201, %select_n3A_181 : vector<1x2048xi1>, vector<1x2048xf32>
    %reduce_max3A_203 = arith.constant dense<0xFF800000> : vector<1xf32>
    %reduce_max3A_204 = vector.multi_reduction <maximumf>, %select_n3A_202, %reduce_max3A_203 [1] : vector<1x2048xf32> to vector<1xf32>
    %broadcast_in_dim3A_205 = vector.shape_cast %reduce_max3A_204 : vector<1xf32> to vector<1x1xf32>
    %ge3A_206 = vector.broadcast %broadcast_in_dim3A_205 : vector<1x1xf32> to vector<1x2048xf32>
    %ge3A_207 = arith.cmpf oge, %select_n3A_202, %ge3A_206 : vector<1x2048xf32>
    %jit3A_208 = arith.constant 2048 : i32
    %broadcast_in_dim3A_209 = vector.broadcast %jit3A_208 : i32 to vector<1x2048xi32>
    %select_n3A_210 = arith.select %ge3A_207, %iota3A, %broadcast_in_dim3A_209 : vector<1x2048xi1>, vector<1x2048xi32>
    %reduce_min3A_211 = arith.constant dense<2147483647> : vector<1xi32>
    %reduce_min3A_212 = vector.multi_reduction <minsi>, %select_n3A_210, %reduce_min3A_211 [1] : vector<1x2048xi32> to vector<1xi32>
    %broadcast_in_dim3A_213 = vector.shape_cast %reduce_min3A_212 : vector<1xi32> to vector<1x1xi32>
    %eq3A_214 = vector.broadcast %broadcast_in_dim3A_213 : vector<1x1xi32> to vector<1x2048xi32>
    %eq3A_215 = arith.cmpi eq, %iota3A, %eq3A_214 : vector<1x2048xi32>
    %convert_element_type3A_216 = arith.extui %eq3A_215 : vector<1x2048xi1> to vector<1x2048xi32>
    %convert_element_type3A_217 = arith.sitofp %convert_element_type3A_216 : vector<1x2048xi32> to vector<1x2048xf32>
    %swap3A_218 = arith.constant 5 : index
    %swap3A_219 = arith.constant 0 : index
    %swap3A_220 = vector.load %arg7[%swap3A_218, %swap3A_219] : memref<40x2048xf32, #tpu.memory_space<vmem>>, vector<1x2048xf32>
    tpu.vector_store %arg7[%swap3A_218, %swap3A_219], %convert_element_type3A_217 {strides = array<i32>} : memref<40x2048xf32, #tpu.memory_space<vmem>>, vector<1x2048xf32>,
    %jit3A_221 = arith.constant -3.000000e+38 : f32
    %broadcast_in_dim3A_222 = vector.broadcast %jit3A_221 : f32 to vector<1x2048xf32>
    %select_n3A_223 = arith.select %eq3A_215, %broadcast_in_dim3A_222, %select_n3A_202 : vector<1x2048xi1>, vector<1x2048xf32>
    %reduce_max3A_224 = arith.constant dense<0xFF800000> : vector<1xf32>
    %reduce_max3A_225 = vector.multi_reduction <maximumf>, %select_n3A_223, %reduce_max3A_224 [1] : vector<1x2048xf32> to vector<1xf32>
    %broadcast_in_dim3A_226 = vector.shape_cast %reduce_max3A_225 : vector<1xf32> to vector<1x1xf32>
    %ge3A_227 = vector.broadcast %broadcast_in_dim3A_226 : vector<1x1xf32> to vector<1x2048xf32>
    %ge3A_228 = arith.cmpf oge, %select_n3A_223, %ge3A_227 : vector<1x2048xf32>
    %jit3A_229 = arith.constant 2048 : i32
    %broadcast_in_dim3A_230 = vector.broadcast %jit3A_229 : i32 to vector<1x2048xi32>
    %select_n3A_231 = arith.select %ge3A_228, %iota3A, %broadcast_in_dim3A_230 : vector<1x2048xi1>, vector<1x2048xi32>
    %reduce_min3A_232 = arith.constant dense<2147483647> : vector<1xi32>
    %reduce_min3A_233 = vector.multi_reduction <minsi>, %select_n3A_231, %reduce_min3A_232 [1] : vector<1x2048xi32> to vector<1xi32>
    %broadcast_in_dim3A_234 = vector.shape_cast %reduce_min3A_233 : vector<1xi32> to vector<1x1xi32>
    %eq3A_235 = vector.broadcast %broadcast_in_dim3A_234 : vector<1x1xi32> to vector<1x2048xi32>
    %eq3A_236 = arith.cmpi eq, %iota3A, %eq3A_235 : vector<1x2048xi32>
    %convert_element_type3A_237 = arith.extui %eq3A_236 : vector<1x2048xi1> to vector<1x2048xi32>
    %convert_element_type3A_238 = arith.sitofp %convert_element_type3A_237 : vector<1x2048xi32> to vector<1x2048xf32>
    %swap3A_239 = arith.constant 6 : index
    %swap3A_240 = arith.constant 0 : index
    %swap3A_241 = vector.load %arg7[%swap3A_239, %swap3A_240] : memref<40x2048xf32, #tpu.memory_space<vmem>>, vector<1x2048xf32>
    tpu.vector_store %arg7[%swap3A_239, %swap3A_240], %convert_element_type3A_238 {strides = array<i32>} : memref<40x2048xf32, #tpu.memory_space<vmem>>, vector<1x2048xf32>,
    %jit3A_242 = arith.constant -3.000000e+38 : f32
    %broadcast_in_dim3A_243 = vector.broadcast %jit3A_242 : f32 to vector<1x2048xf32>
    %select_n3A_244 = arith.select %eq3A_236, %broadcast_in_dim3A_243, %select_n3A_223 : vector<1x2048xi1>, vector<1x2048xf32>
    %reduce_max3A_245 = arith.constant dense<0xFF800000> : vector<1xf32>
    %reduce_max3A_246 = vector.multi_reduction <maximumf>, %select_n3A_244, %reduce_max3A_245 [1] : vector<1x2048xf32> to vector<1xf32>
    %broadcast_in_dim3A_247 = vector.shape_cast %reduce_max3A_246 : vector<1xf32> to vector<1x1xf32>
    %ge3A_248 = vector.broadcast %broadcast_in_dim3A_247 : vector<1x1xf32> to vector<1x2048xf32>
    %ge3A_249 = arith.cmpf oge, %select_n3A_244, %ge3A_248 : vector<1x2048xf32>
    %jit3A_250 = arith.constant 2048 : i32
    %broadcast_in_dim3A_251 = vector.broadcast %jit3A_250 : i32 to vector<1x2048xi32>
    %select_n3A_252 = arith.select %ge3A_249, %iota3A, %broadcast_in_dim3A_251 : vector<1x2048xi1>, vector<1x2048xi32>
    %reduce_min3A_253 = arith.constant dense<2147483647> : vector<1xi32>
    %reduce_min3A_254 = vector.multi_reduction <minsi>, %select_n3A_252, %reduce_min3A_253 [1] : vector<1x2048xi32> to vector<1xi32>
    %broadcast_in_dim3A_255 = vector.shape_cast %reduce_min3A_254 : vector<1xi32> to vector<1x1xi32>
    %eq3A_256 = vector.broadcast %broadcast_in_dim3A_255 : vector<1x1xi32> to vector<1x2048xi32>
    %eq3A_257 = arith.cmpi eq, %iota3A, %eq3A_256 : vector<1x2048xi32>
    %convert_element_type3A_258 = arith.extui %eq3A_257 : vector<1x2048xi1> to vector<1x2048xi32>
    %convert_element_type3A_259 = arith.sitofp %convert_element_type3A_258 : vector<1x2048xi32> to vector<1x2048xf32>
    %swap3A_260 = arith.constant 7 : index
    %swap3A_261 = arith.constant 0 : index
    %swap3A_262 = vector.load %arg7[%swap3A_260, %swap3A_261] : memref<40x2048xf32, #tpu.memory_space<vmem>>, vector<1x2048xf32>
    tpu.vector_store %arg7[%swap3A_260, %swap3A_261], %convert_element_type3A_259 {strides = array<i32>} : memref<40x2048xf32, #tpu.memory_space<vmem>>, vector<1x2048xf32>,
    %jit3A_263 = arith.constant -3.000000e+38 : f32
    %broadcast_in_dim3A_264 = vector.broadcast %jit3A_263 : f32 to vector<1x2048xf32>
    %select_n3A_265 = arith.select %eq3A_257, %broadcast_in_dim3A_264, %select_n3A_244 : vector<1x2048xi1>, vector<1x2048xf32>
    %reduce_max3A_266 = arith.constant dense<0xFF800000> : vector<1xf32>
    %reduce_max3A_267 = vector.multi_reduction <maximumf>, %select_n3A_265, %reduce_max3A_266 [1] : vector<1x2048xf32> to vector<1xf32>
    %broadcast_in_dim3A_268 = vector.shape_cast %reduce_max3A_267 : vector<1xf32> to vector<1x1xf32>
    %ge3A_269 = vector.broadcast %broadcast_in_dim3A_268 : vector<1x1xf32> to vector<1x2048xf32>
    %ge3A_270 = arith.cmpf oge, %select_n3A_265, %ge3A_269 : vector<1x2048xf32>
    %jit3A_271 = arith.constant 2048 : i32
    %broadcast_in_dim3A_272 = vector.broadcast %jit3A_271 : i32 to vector<1x2048xi32>
    %select_n3A_273 = arith.select %ge3A_270, %iota3A, %broadcast_in_dim3A_272 : vector<1x2048xi1>, vector<1x2048xi32>
    %reduce_min3A_274 = arith.constant dense<2147483647> : vector<1xi32>
    %reduce_min3A_275 = vector.multi_reduction <minsi>, %select_n3A_273, %reduce_min3A_274 [1] : vector<1x2048xi32> to vector<1xi32>
    %broadcast_in_dim3A_276 = vector.shape_cast %reduce_min3A_275 : vector<1xi32> to vector<1x1xi32>
    %eq3A_277 = vector.broadcast %broadcast_in_dim3A_276 : vector<1x1xi32> to vector<1x2048xi32>
    %eq3A_278 = arith.cmpi eq, %iota3A, %eq3A_277 : vector<1x2048xi32>
    %convert_element_type3A_279 = arith.extui %eq3A_278 : vector<1x2048xi1> to vector<1x2048xi32>
    %convert_element_type3A_280 = arith.sitofp %convert_element_type3A_279 : vector<1x2048xi32> to vector<1x2048xf32>
    %swap3A_281 = arith.constant 8 : index
    %swap3A_282 = arith.constant 0 : index
    %swap3A_283 = vector.load %arg7[%swap3A_281, %swap3A_282] : memref<40x2048xf32, #tpu.memory_space<vmem>>, vector<1x2048xf32>
    tpu.vector_store %arg7[%swap3A_281, %swap3A_282], %convert_element_type3A_280 {strides = array<i32>} : memref<40x2048xf32, #tpu.memory_space<vmem>>, vector<1x2048xf32>,
    %jit3A_284 = arith.constant -3.000000e+38 : f32
    %broadcast_in_dim3A_285 = vector.broadcast %jit3A_284 : f32 to vector<1x2048xf32>
    %select_n3A_286 = arith.select %eq3A_278, %broadcast_in_dim3A_285, %select_n3A_265 : vector<1x2048xi1>, vector<1x2048xf32>
    %reduce_max3A_287 = arith.constant dense<0xFF800000> : vector<1xf32>
    %reduce_max3A_288 = vector.multi_reduction <maximumf>, %select_n3A_286, %reduce_max3A_287 [1] : vector<1x2048xf32> to vector<1xf32>
    %broadcast_in_dim3A_289 = vector.shape_cast %reduce_max3A_288 : vector<1xf32> to vector<1x1xf32>
    %ge3A_290 = vector.broadcast %broadcast_in_dim3A_289 : vector<1x1xf32> to vector<1x2048xf32>
    %ge3A_291 = arith.cmpf oge, %select_n3A_286, %ge3A_290 : vector<1x2048xf32>
    %jit3A_292 = arith.constant 2048 : i32
    %broadcast_in_dim3A_293 = vector.broadcast %jit3A_292 : i32 to vector<1x2048xi32>
    %select_n3A_294 = arith.select %ge3A_291, %iota3A, %broadcast_in_dim3A_293 : vector<1x2048xi1>, vector<1x2048xi32>
    %reduce_min3A_295 = arith.constant dense<2147483647> : vector<1xi32>
    %reduce_min3A_296 = vector.multi_reduction <minsi>, %select_n3A_294, %reduce_min3A_295 [1] : vector<1x2048xi32> to vector<1xi32>
    %broadcast_in_dim3A_297 = vector.shape_cast %reduce_min3A_296 : vector<1xi32> to vector<1x1xi32>
    %eq3A_298 = vector.broadcast %broadcast_in_dim3A_297 : vector<1x1xi32> to vector<1x2048xi32>
    %eq3A_299 = arith.cmpi eq, %iota3A, %eq3A_298 : vector<1x2048xi32>
    %convert_element_type3A_300 = arith.extui %eq3A_299 : vector<1x2048xi1> to vector<1x2048xi32>
    %convert_element_type3A_301 = arith.sitofp %convert_element_type3A_300 : vector<1x2048xi32> to vector<1x2048xf32>
    %swap3A_302 = arith.constant 9 : index
    %swap3A_303 = arith.constant 0 : index
    %swap3A_304 = vector.load %arg7[%swap3A_302, %swap3A_303] : memref<40x2048xf32, #tpu.memory_space<vmem>>, vector<1x2048xf32>
    tpu.vector_store %arg7[%swap3A_302, %swap3A_303], %convert_element_type3A_301 {strides = array<i32>} : memref<40x2048xf32, #tpu.memory_space<vmem>>, vector<1x2048xf32>,
    %jit3A_305 = arith.constant -3.000000e+38 : f32
    %broadcast_in_dim3A_306 = vector.broadcast %jit3A_305 : f32 to vector<1x2048xf32>
    %select_n3A_307 = arith.select %eq3A_299, %broadcast_in_dim3A_306, %select_n3A_286 : vector<1x2048xi1>, vector<1x2048xf32>
    %reduce_max3A_308 = arith.constant dense<0xFF800000> : vector<1xf32>
    %reduce_max3A_309 = vector.multi_reduction <maximumf>, %select_n3A_307, %reduce_max3A_308 [1] : vector<1x2048xf32> to vector<1xf32>
    %broadcast_in_dim3A_310 = vector.shape_cast %reduce_max3A_309 : vector<1xf32> to vector<1x1xf32>
    %ge3A_311 = vector.broadcast %broadcast_in_dim3A_310 : vector<1x1xf32> to vector<1x2048xf32>
    %ge3A_312 = arith.cmpf oge, %select_n3A_307, %ge3A_311 : vector<1x2048xf32>
    %jit3A_313 = arith.constant 2048 : i32
    %broadcast_in_dim3A_314 = vector.broadcast %jit3A_313 : i32 to vector<1x2048xi32>
    %select_n3A_315 = arith.select %ge3A_312, %iota3A, %broadcast_in_dim3A_314 : vector<1x2048xi1>, vector<1x2048xi32>
    %reduce_min3A_316 = arith.constant dense<2147483647> : vector<1xi32>
    %reduce_min3A_317 = vector.multi_reduction <minsi>, %select_n3A_315, %reduce_min3A_316 [1] : vector<1x2048xi32> to vector<1xi32>
    %broadcast_in_dim3A_318 = vector.shape_cast %reduce_min3A_317 : vector<1xi32> to vector<1x1xi32>
    %eq3A_319 = vector.broadcast %broadcast_in_dim3A_318 : vector<1x1xi32> to vector<1x2048xi32>
    %eq3A_320 = arith.cmpi eq, %iota3A, %eq3A_319 : vector<1x2048xi32>
    %convert_element_type3A_321 = arith.extui %eq3A_320 : vector<1x2048xi1> to vector<1x2048xi32>
    %convert_element_type3A_322 = arith.sitofp %convert_element_type3A_321 : vector<1x2048xi32> to vector<1x2048xf32>
    %swap3A_323 = arith.constant 10 : index
    %swap3A_324 = arith.constant 0 : index
    %swap3A_325 = vector.load %arg7[%swap3A_323, %swap3A_324] : memref<40x2048xf32, #tpu.memory_space<vmem>>, vector<1x2048xf32>
    tpu.vector_store %arg7[%swap3A_323, %swap3A_324], %convert_element_type3A_322 {strides = array<i32>} : memref<40x2048xf32, #tpu.memory_space<vmem>>, vector<1x2048xf32>,
    %jit3A_326 = arith.constant -3.000000e+38 : f32
    %broadcast_in_dim3A_327 = vector.broadcast %jit3A_326 : f32 to vector<1x2048xf32>
    %select_n3A_328 = arith.select %eq3A_320, %broadcast_in_dim3A_327, %select_n3A_307 : vector<1x2048xi1>, vector<1x2048xf32>
    %reduce_max3A_329 = arith.constant dense<0xFF800000> : vector<1xf32>
    %reduce_max3A_330 = vector.multi_reduction <maximumf>, %select_n3A_328, %reduce_max3A_329 [1] : vector<1x2048xf32> to vector<1xf32>
    %broadcast_in_dim3A_331 = vector.shape_cast %reduce_max3A_330 : vector<1xf32> to vector<1x1xf32>
    %ge3A_332 = vector.broadcast %broadcast_in_dim3A_331 : vector<1x1xf32> to vector<1x2048xf32>
    %ge3A_333 = arith.cmpf oge, %select_n3A_328, %ge3A_332 : vector<1x2048xf32>
    %jit3A_334 = arith.constant 2048 : i32
    %broadcast_in_dim3A_335 = vector.broadcast %jit3A_334 : i32 to vector<1x2048xi32>
    %select_n3A_336 = arith.select %ge3A_333, %iota3A, %broadcast_in_dim3A_335 : vector<1x2048xi1>, vector<1x2048xi32>
    %reduce_min3A_337 = arith.constant dense<2147483647> : vector<1xi32>
    %reduce_min3A_338 = vector.multi_reduction <minsi>, %select_n3A_336, %reduce_min3A_337 [1] : vector<1x2048xi32> to vector<1xi32>
    %broadcast_in_dim3A_339 = vector.shape_cast %reduce_min3A_338 : vector<1xi32> to vector<1x1xi32>
    %eq3A_340 = vector.broadcast %broadcast_in_dim3A_339 : vector<1x1xi32> to vector<1x2048xi32>
    %eq3A_341 = arith.cmpi eq, %iota3A, %eq3A_340 : vector<1x2048xi32>
    %convert_element_type3A_342 = arith.extui %eq3A_341 : vector<1x2048xi1> to vector<1x2048xi32>
    %convert_element_type3A_343 = arith.sitofp %convert_element_type3A_342 : vector<1x2048xi32> to vector<1x2048xf32>
    %swap3A_344 = arith.constant 11 : index
    %swap3A_345 = arith.constant 0 : index
    %swap3A_346 = vector.load %arg7[%swap3A_344, %swap3A_345] : memref<40x2048xf32, #tpu.memory_space<vmem>>, vector<1x2048xf32>
    tpu.vector_store %arg7[%swap3A_344, %swap3A_345], %convert_element_type3A_343 {strides = array<i32>} : memref<40x2048xf32, #tpu.memory_space<vmem>>, vector<1x2048xf32>,
    %jit3A_347 = arith.constant -3.000000e+38 : f32
    %broadcast_in_dim3A_348 = vector.broadcast %jit3A_347 : f32 to vector<1x2048xf32>
    %select_n3A_349 = arith.select %eq3A_341, %broadcast_in_dim3A_348, %select_n3A_328 : vector<1x2048xi1>, vector<1x2048xf32>
    %reduce_max3A_350 = arith.constant dense<0xFF800000> : vector<1xf32>
    %reduce_max3A_351 = vector.multi_reduction <maximumf>, %select_n3A_349, %reduce_max3A_350 [1] : vector<1x2048xf32> to vector<1xf32>
    %broadcast_in_dim3A_352 = vector.shape_cast %reduce_max3A_351 : vector<1xf32> to vector<1x1xf32>
    %ge3A_353 = vector.broadcast %broadcast_in_dim3A_352 : vector<1x1xf32> to vector<1x2048xf32>
    %ge3A_354 = arith.cmpf oge, %select_n3A_349, %ge3A_353 : vector<1x2048xf32>
    %jit3A_355 = arith.constant 2048 : i32
    %broadcast_in_dim3A_356 = vector.broadcast %jit3A_355 : i32 to vector<1x2048xi32>
    %select_n3A_357 = arith.select %ge3A_354, %iota3A, %broadcast_in_dim3A_356 : vector<1x2048xi1>, vector<1x2048xi32>
    %reduce_min3A_358 = arith.constant dense<2147483647> : vector<1xi32>
    %reduce_min3A_359 = vector.multi_reduction <minsi>, %select_n3A_357, %reduce_min3A_358 [1] : vector<1x2048xi32> to vector<1xi32>
    %broadcast_in_dim3A_360 = vector.shape_cast %reduce_min3A_359 : vector<1xi32> to vector<1x1xi32>
    %eq3A_361 = vector.broadcast %broadcast_in_dim3A_360 : vector<1x1xi32> to vector<1x2048xi32>
    %eq3A_362 = arith.cmpi eq, %iota3A, %eq3A_361 : vector<1x2048xi32>
    %convert_element_type3A_363 = arith.extui %eq3A_362 : vector<1x2048xi1> to vector<1x2048xi32>
    %convert_element_type3A_364 = arith.sitofp %convert_element_type3A_363 : vector<1x2048xi32> to vector<1x2048xf32>
    %swap3A_365 = arith.constant 12 : index
    %swap3A_366 = arith.constant 0 : index
    %swap3A_367 = vector.load %arg7[%swap3A_365, %swap3A_366] : memref<40x2048xf32, #tpu.memory_space<vmem>>, vector<1x2048xf32>
    tpu.vector_store %arg7[%swap3A_365, %swap3A_366], %convert_element_type3A_364 {strides = array<i32>} : memref<40x2048xf32, #tpu.memory_space<vmem>>, vector<1x2048xf32>,
    %jit3A_368 = arith.constant -3.000000e+38 : f32
    %broadcast_in_dim3A_369 = vector.broadcast %jit3A_368 : f32 to vector<1x2048xf32>
    %select_n3A_370 = arith.select %eq3A_362, %broadcast_in_dim3A_369, %select_n3A_349 : vector<1x2048xi1>, vector<1x2048xf32>
    %reduce_max3A_371 = arith.constant dense<0xFF800000> : vector<1xf32>
    %reduce_max3A_372 = vector.multi_reduction <maximumf>, %select_n3A_370, %reduce_max3A_371 [1] : vector<1x2048xf32> to vector<1xf32>
    %broadcast_in_dim3A_373 = vector.shape_cast %reduce_max3A_372 : vector<1xf32> to vector<1x1xf32>
    %ge3A_374 = vector.broadcast %broadcast_in_dim3A_373 : vector<1x1xf32> to vector<1x2048xf32>
    %ge3A_375 = arith.cmpf oge, %select_n3A_370, %ge3A_374 : vector<1x2048xf32>
    %jit3A_376 = arith.constant 2048 : i32
    %broadcast_in_dim3A_377 = vector.broadcast %jit3A_376 : i32 to vector<1x2048xi32>
    %select_n3A_378 = arith.select %ge3A_375, %iota3A, %broadcast_in_dim3A_377 : vector<1x2048xi1>, vector<1x2048xi32>
    %reduce_min3A_379 = arith.constant dense<2147483647> : vector<1xi32>
    %reduce_min3A_380 = vector.multi_reduction <minsi>, %select_n3A_378, %reduce_min3A_379 [1] : vector<1x2048xi32> to vector<1xi32>
    %broadcast_in_dim3A_381 = vector.shape_cast %reduce_min3A_380 : vector<1xi32> to vector<1x1xi32>
    %eq3A_382 = vector.broadcast %broadcast_in_dim3A_381 : vector<1x1xi32> to vector<1x2048xi32>
    %eq3A_383 = arith.cmpi eq, %iota3A, %eq3A_382 : vector<1x2048xi32>
    %convert_element_type3A_384 = arith.extui %eq3A_383 : vector<1x2048xi1> to vector<1x2048xi32>
    %convert_element_type3A_385 = arith.sitofp %convert_element_type3A_384 : vector<1x2048xi32> to vector<1x2048xf32>
    %swap3A_386 = arith.constant 13 : index
    %swap3A_387 = arith.constant 0 : index
    %swap3A_388 = vector.load %arg7[%swap3A_386, %swap3A_387] : memref<40x2048xf32, #tpu.memory_space<vmem>>, vector<1x2048xf32>
    tpu.vector_store %arg7[%swap3A_386, %swap3A_387], %convert_element_type3A_385 {strides = array<i32>} : memref<40x2048xf32, #tpu.memory_space<vmem>>, vector<1x2048xf32>,
    %jit3A_389 = arith.constant -3.000000e+38 : f32
    %broadcast_in_dim3A_390 = vector.broadcast %jit3A_389 : f32 to vector<1x2048xf32>
    %select_n3A_391 = arith.select %eq3A_383, %broadcast_in_dim3A_390, %select_n3A_370 : vector<1x2048xi1>, vector<1x2048xf32>
    %reduce_max3A_392 = arith.constant dense<0xFF800000> : vector<1xf32>
    %reduce_max3A_393 = vector.multi_reduction <maximumf>, %select_n3A_391, %reduce_max3A_392 [1] : vector<1x2048xf32> to vector<1xf32>
    %broadcast_in_dim3A_394 = vector.shape_cast %reduce_max3A_393 : vector<1xf32> to vector<1x1xf32>
    %ge3A_395 = vector.broadcast %broadcast_in_dim3A_394 : vector<1x1xf32> to vector<1x2048xf32>
    %ge3A_396 = arith.cmpf oge, %select_n3A_391, %ge3A_395 : vector<1x2048xf32>
    %jit3A_397 = arith.constant 2048 : i32
    %broadcast_in_dim3A_398 = vector.broadcast %jit3A_397 : i32 to vector<1x2048xi32>
    %select_n3A_399 = arith.select %ge3A_396, %iota3A, %broadcast_in_dim3A_398 : vector<1x2048xi1>, vector<1x2048xi32>
    %reduce_min3A_400 = arith.constant dense<2147483647> : vector<1xi32>
    %reduce_min3A_401 = vector.multi_reduction <minsi>, %select_n3A_399, %reduce_min3A_400 [1] : vector<1x2048xi32> to vector<1xi32>
    %broadcast_in_dim3A_402 = vector.shape_cast %reduce_min3A_401 : vector<1xi32> to vector<1x1xi32>
    %eq3A_403 = vector.broadcast %broadcast_in_dim3A_402 : vector<1x1xi32> to vector<1x2048xi32>
    %eq3A_404 = arith.cmpi eq, %iota3A, %eq3A_403 : vector<1x2048xi32>
    %convert_element_type3A_405 = arith.extui %eq3A_404 : vector<1x2048xi1> to vector<1x2048xi32>
    %convert_element_type3A_406 = arith.sitofp %convert_element_type3A_405 : vector<1x2048xi32> to vector<1x2048xf32>
    %swap3A_407 = arith.constant 14 : index
    %swap3A_408 = arith.constant 0 : index
    %swap3A_409 = vector.load %arg7[%swap3A_407, %swap3A_408] : memref<40x2048xf32, #tpu.memory_space<vmem>>, vector<1x2048xf32>
    tpu.vector_store %arg7[%swap3A_407, %swap3A_408], %convert_element_type3A_406 {strides = array<i32>} : memref<40x2048xf32, #tpu.memory_space<vmem>>, vector<1x2048xf32>,
    %jit3A_410 = arith.constant -3.000000e+38 : f32
    %broadcast_in_dim3A_411 = vector.broadcast %jit3A_410 : f32 to vector<1x2048xf32>
    %select_n3A_412 = arith.select %eq3A_404, %broadcast_in_dim3A_411, %select_n3A_391 : vector<1x2048xi1>, vector<1x2048xf32>
    %reduce_max3A_413 = arith.constant dense<0xFF800000> : vector<1xf32>
    %reduce_max3A_414 = vector.multi_reduction <maximumf>, %select_n3A_412, %reduce_max3A_413 [1] : vector<1x2048xf32> to vector<1xf32>
    %broadcast_in_dim3A_415 = vector.shape_cast %reduce_max3A_414 : vector<1xf32> to vector<1x1xf32>
    %ge3A_416 = vector.broadcast %broadcast_in_dim3A_415 : vector<1x1xf32> to vector<1x2048xf32>
    %ge3A_417 = arith.cmpf oge, %select_n3A_412, %ge3A_416 : vector<1x2048xf32>
    %jit3A_418 = arith.constant 2048 : i32
    %broadcast_in_dim3A_419 = vector.broadcast %jit3A_418 : i32 to vector<1x2048xi32>
    %select_n3A_420 = arith.select %ge3A_417, %iota3A, %broadcast_in_dim3A_419 : vector<1x2048xi1>, vector<1x2048xi32>
    %reduce_min3A_421 = arith.constant dense<2147483647> : vector<1xi32>
    %reduce_min3A_422 = vector.multi_reduction <minsi>, %select_n3A_420, %reduce_min3A_421 [1] : vector<1x2048xi32> to vector<1xi32>
    %broadcast_in_dim3A_423 = vector.shape_cast %reduce_min3A_422 : vector<1xi32> to vector<1x1xi32>
    %eq3A_424 = vector.broadcast %broadcast_in_dim3A_423 : vector<1x1xi32> to vector<1x2048xi32>
    %eq3A_425 = arith.cmpi eq, %iota3A, %eq3A_424 : vector<1x2048xi32>
    %convert_element_type3A_426 = arith.extui %eq3A_425 : vector<1x2048xi1> to vector<1x2048xi32>
    %convert_element_type3A_427 = arith.sitofp %convert_element_type3A_426 : vector<1x2048xi32> to vector<1x2048xf32>
    %swap3A_428 = arith.constant 15 : index
    %swap3A_429 = arith.constant 0 : index
    %swap3A_430 = vector.load %arg7[%swap3A_428, %swap3A_429] : memref<40x2048xf32, #tpu.memory_space<vmem>>, vector<1x2048xf32>
    tpu.vector_store %arg7[%swap3A_428, %swap3A_429], %convert_element_type3A_427 {strides = array<i32>} : memref<40x2048xf32, #tpu.memory_space<vmem>>, vector<1x2048xf32>,
    %jit3A_431 = arith.constant -3.000000e+38 : f32
    %broadcast_in_dim3A_432 = vector.broadcast %jit3A_431 : f32 to vector<1x2048xf32>
    %select_n3A_433 = arith.select %eq3A_425, %broadcast_in_dim3A_432, %select_n3A_412 : vector<1x2048xi1>, vector<1x2048xf32>
    %reduce_max3A_434 = arith.constant dense<0xFF800000> : vector<1xf32>
    %reduce_max3A_435 = vector.multi_reduction <maximumf>, %select_n3A_433, %reduce_max3A_434 [1] : vector<1x2048xf32> to vector<1xf32>
    %broadcast_in_dim3A_436 = vector.shape_cast %reduce_max3A_435 : vector<1xf32> to vector<1x1xf32>
    %ge3A_437 = vector.broadcast %broadcast_in_dim3A_436 : vector<1x1xf32> to vector<1x2048xf32>
    %ge3A_438 = arith.cmpf oge, %select_n3A_433, %ge3A_437 : vector<1x2048xf32>
    %jit3A_439 = arith.constant 2048 : i32
    %broadcast_in_dim3A_440 = vector.broadcast %jit3A_439 : i32 to vector<1x2048xi32>
    %select_n3A_441 = arith.select %ge3A_438, %iota3A, %broadcast_in_dim3A_440 : vector<1x2048xi1>, vector<1x2048xi32>
    %reduce_min3A_442 = arith.constant dense<2147483647> : vector<1xi32>
    %reduce_min3A_443 = vector.multi_reduction <minsi>, %select_n3A_441, %reduce_min3A_442 [1] : vector<1x2048xi32> to vector<1xi32>
    %broadcast_in_dim3A_444 = vector.shape_cast %reduce_min3A_443 : vector<1xi32> to vector<1x1xi32>
    %eq3A_445 = vector.broadcast %broadcast_in_dim3A_444 : vector<1x1xi32> to vector<1x2048xi32>
    %eq3A_446 = arith.cmpi eq, %iota3A, %eq3A_445 : vector<1x2048xi32>
    %convert_element_type3A_447 = arith.extui %eq3A_446 : vector<1x2048xi1> to vector<1x2048xi32>
    %convert_element_type3A_448 = arith.sitofp %convert_element_type3A_447 : vector<1x2048xi32> to vector<1x2048xf32>
    %swap3A_449 = arith.constant 16 : index
    %swap3A_450 = arith.constant 0 : index
    %swap3A_451 = vector.load %arg7[%swap3A_449, %swap3A_450] : memref<40x2048xf32, #tpu.memory_space<vmem>>, vector<1x2048xf32>
    tpu.vector_store %arg7[%swap3A_449, %swap3A_450], %convert_element_type3A_448 {strides = array<i32>} : memref<40x2048xf32, #tpu.memory_space<vmem>>, vector<1x2048xf32>,
    %jit3A_452 = arith.constant -3.000000e+38 : f32
    %broadcast_in_dim3A_453 = vector.broadcast %jit3A_452 : f32 to vector<1x2048xf32>
    %select_n3A_454 = arith.select %eq3A_446, %broadcast_in_dim3A_453, %select_n3A_433 : vector<1x2048xi1>, vector<1x2048xf32>
    %reduce_max3A_455 = arith.constant dense<0xFF800000> : vector<1xf32>
    %reduce_max3A_456 = vector.multi_reduction <maximumf>, %select_n3A_454, %reduce_max3A_455 [1] : vector<1x2048xf32> to vector<1xf32>
    %broadcast_in_dim3A_457 = vector.shape_cast %reduce_max3A_456 : vector<1xf32> to vector<1x1xf32>
    %ge3A_458 = vector.broadcast %broadcast_in_dim3A_457 : vector<1x1xf32> to vector<1x2048xf32>
    %ge3A_459 = arith.cmpf oge, %select_n3A_454, %ge3A_458 : vector<1x2048xf32>
    %jit3A_460 = arith.constant 2048 : i32
    %broadcast_in_dim3A_461 = vector.broadcast %jit3A_460 : i32 to vector<1x2048xi32>
    %select_n3A_462 = arith.select %ge3A_459, %iota3A, %broadcast_in_dim3A_461 : vector<1x2048xi1>, vector<1x2048xi32>
    %reduce_min3A_463 = arith.constant dense<2147483647> : vector<1xi32>
    %reduce_min3A_464 = vector.multi_reduction <minsi>, %select_n3A_462, %reduce_min3A_463 [1] : vector<1x2048xi32> to vector<1xi32>
    %broadcast_in_dim3A_465 = vector.shape_cast %reduce_min3A_464 : vector<1xi32> to vector<1x1xi32>
    %eq3A_466 = vector.broadcast %broadcast_in_dim3A_465 : vector<1x1xi32> to vector<1x2048xi32>
    %eq3A_467 = arith.cmpi eq, %iota3A, %eq3A_466 : vector<1x2048xi32>
    %convert_element_type3A_468 = arith.extui %eq3A_467 : vector<1x2048xi1> to vector<1x2048xi32>
    %convert_element_type3A_469 = arith.sitofp %convert_element_type3A_468 : vector<1x2048xi32> to vector<1x2048xf32>
    %swap3A_470 = arith.constant 17 : index
    %swap3A_471 = arith.constant 0 : index
    %swap3A_472 = vector.load %arg7[%swap3A_470, %swap3A_471] : memref<40x2048xf32, #tpu.memory_space<vmem>>, vector<1x2048xf32>
    tpu.vector_store %arg7[%swap3A_470, %swap3A_471], %convert_element_type3A_469 {strides = array<i32>} : memref<40x2048xf32, #tpu.memory_space<vmem>>, vector<1x2048xf32>,
    %jit3A_473 = arith.constant -3.000000e+38 : f32
    %broadcast_in_dim3A_474 = vector.broadcast %jit3A_473 : f32 to vector<1x2048xf32>
    %select_n3A_475 = arith.select %eq3A_467, %broadcast_in_dim3A_474, %select_n3A_454 : vector<1x2048xi1>, vector<1x2048xf32>
    %reduce_max3A_476 = arith.constant dense<0xFF800000> : vector<1xf32>
    %reduce_max3A_477 = vector.multi_reduction <maximumf>, %select_n3A_475, %reduce_max3A_476 [1] : vector<1x2048xf32> to vector<1xf32>
    %broadcast_in_dim3A_478 = vector.shape_cast %reduce_max3A_477 : vector<1xf32> to vector<1x1xf32>
    %ge3A_479 = vector.broadcast %broadcast_in_dim3A_478 : vector<1x1xf32> to vector<1x2048xf32>
    %ge3A_480 = arith.cmpf oge, %select_n3A_475, %ge3A_479 : vector<1x2048xf32>
    %jit3A_481 = arith.constant 2048 : i32
    %broadcast_in_dim3A_482 = vector.broadcast %jit3A_481 : i32 to vector<1x2048xi32>
    %select_n3A_483 = arith.select %ge3A_480, %iota3A, %broadcast_in_dim3A_482 : vector<1x2048xi1>, vector<1x2048xi32>
    %reduce_min3A_484 = arith.constant dense<2147483647> : vector<1xi32>
    %reduce_min3A_485 = vector.multi_reduction <minsi>, %select_n3A_483, %reduce_min3A_484 [1] : vector<1x2048xi32> to vector<1xi32>
    %broadcast_in_dim3A_486 = vector.shape_cast %reduce_min3A_485 : vector<1xi32> to vector<1x1xi32>
    %eq3A_487 = vector.broadcast %broadcast_in_dim3A_486 : vector<1x1xi32> to vector<1x2048xi32>
    %eq3A_488 = arith.cmpi eq, %iota3A, %eq3A_487 : vector<1x2048xi32>
    %convert_element_type3A_489 = arith.extui %eq3A_488 : vector<1x2048xi1> to vector<1x2048xi32>
    %convert_element_type3A_490 = arith.sitofp %convert_element_type3A_489 : vector<1x2048xi32> to vector<1x2048xf32>
    %swap3A_491 = arith.constant 18 : index
    %swap3A_492 = arith.constant 0 : index
    %swap3A_493 = vector.load %arg7[%swap3A_491, %swap3A_492] : memref<40x2048xf32, #tpu.memory_space<vmem>>, vector<1x2048xf32>
    tpu.vector_store %arg7[%swap3A_491, %swap3A_492], %convert_element_type3A_490 {strides = array<i32>} : memref<40x2048xf32, #tpu.memory_space<vmem>>, vector<1x2048xf32>,
    %jit3A_494 = arith.constant -3.000000e+38 : f32
    %broadcast_in_dim3A_495 = vector.broadcast %jit3A_494 : f32 to vector<1x2048xf32>
    %select_n3A_496 = arith.select %eq3A_488, %broadcast_in_dim3A_495, %select_n3A_475 : vector<1x2048xi1>, vector<1x2048xf32>
    %reduce_max3A_497 = arith.constant dense<0xFF800000> : vector<1xf32>
    %reduce_max3A_498 = vector.multi_reduction <maximumf>, %select_n3A_496, %reduce_max3A_497 [1] : vector<1x2048xf32> to vector<1xf32>
    %broadcast_in_dim3A_499 = vector.shape_cast %reduce_max3A_498 : vector<1xf32> to vector<1x1xf32>
    %ge3A_500 = vector.broadcast %broadcast_in_dim3A_499 : vector<1x1xf32> to vector<1x2048xf32>
    %ge3A_501 = arith.cmpf oge, %select_n3A_496, %ge3A_500 : vector<1x2048xf32>
    %jit3A_502 = arith.constant 2048 : i32
    %broadcast_in_dim3A_503 = vector.broadcast %jit3A_502 : i32 to vector<1x2048xi32>
    %select_n3A_504 = arith.select %ge3A_501, %iota3A, %broadcast_in_dim3A_503 : vector<1x2048xi1>, vector<1x2048xi32>
    %reduce_min3A_505 = arith.constant dense<2147483647> : vector<1xi32>
    %reduce_min3A_506 = vector.multi_reduction <minsi>, %select_n3A_504, %reduce_min3A_505 [1] : vector<1x2048xi32> to vector<1xi32>
    %broadcast_in_dim3A_507 = vector.shape_cast %reduce_min3A_506 : vector<1xi32> to vector<1x1xi32>
    %eq3A_508 = vector.broadcast %broadcast_in_dim3A_507 : vector<1x1xi32> to vector<1x2048xi32>
    %eq3A_509 = arith.cmpi eq, %iota3A, %eq3A_508 : vector<1x2048xi32>
    %convert_element_type3A_510 = arith.extui %eq3A_509 : vector<1x2048xi1> to vector<1x2048xi32>
    %convert_element_type3A_511 = arith.sitofp %convert_element_type3A_510 : vector<1x2048xi32> to vector<1x2048xf32>
    %swap3A_512 = arith.constant 19 : index
    %swap3A_513 = arith.constant 0 : index
    %swap3A_514 = vector.load %arg7[%swap3A_512, %swap3A_513] : memref<40x2048xf32, #tpu.memory_space<vmem>>, vector<1x2048xf32>
    tpu.vector_store %arg7[%swap3A_512, %swap3A_513], %convert_element_type3A_511 {strides = array<i32>} : memref<40x2048xf32, #tpu.memory_space<vmem>>, vector<1x2048xf32>,
    %jit3A_515 = arith.constant -3.000000e+38 : f32
    %broadcast_in_dim3A_516 = vector.broadcast %jit3A_515 : f32 to vector<1x2048xf32>
    %select_n3A_517 = arith.select %eq3A_509, %broadcast_in_dim3A_516, %select_n3A_496 : vector<1x2048xi1>, vector<1x2048xf32>
    %reduce_max3A_518 = arith.constant dense<0xFF800000> : vector<1xf32>
    %reduce_max3A_519 = vector.multi_reduction <maximumf>, %select_n3A_517, %reduce_max3A_518 [1] : vector<1x2048xf32> to vector<1xf32>
    %broadcast_in_dim3A_520 = vector.shape_cast %reduce_max3A_519 : vector<1xf32> to vector<1x1xf32>
    %ge3A_521 = vector.broadcast %broadcast_in_dim3A_520 : vector<1x1xf32> to vector<1x2048xf32>
    %ge3A_522 = arith.cmpf oge, %select_n3A_517, %ge3A_521 : vector<1x2048xf32>
    %jit3A_523 = arith.constant 2048 : i32
    %broadcast_in_dim3A_524 = vector.broadcast %jit3A_523 : i32 to vector<1x2048xi32>
    %select_n3A_525 = arith.select %ge3A_522, %iota3A, %broadcast_in_dim3A_524 : vector<1x2048xi1>, vector<1x2048xi32>
    %reduce_min3A_526 = arith.constant dense<2147483647> : vector<1xi32>
    %reduce_min3A_527 = vector.multi_reduction <minsi>, %select_n3A_525, %reduce_min3A_526 [1] : vector<1x2048xi32> to vector<1xi32>
    %broadcast_in_dim3A_528 = vector.shape_cast %reduce_min3A_527 : vector<1xi32> to vector<1x1xi32>
    %eq3A_529 = vector.broadcast %broadcast_in_dim3A_528 : vector<1x1xi32> to vector<1x2048xi32>
    %eq3A_530 = arith.cmpi eq, %iota3A, %eq3A_529 : vector<1x2048xi32>
    %convert_element_type3A_531 = arith.extui %eq3A_530 : vector<1x2048xi1> to vector<1x2048xi32>
    %convert_element_type3A_532 = arith.sitofp %convert_element_type3A_531 : vector<1x2048xi32> to vector<1x2048xf32>
    %swap3A_533 = arith.constant 20 : index
    %swap3A_534 = arith.constant 0 : index
    %swap3A_535 = vector.load %arg7[%swap3A_533, %swap3A_534] : memref<40x2048xf32, #tpu.memory_space<vmem>>, vector<1x2048xf32>
    tpu.vector_store %arg7[%swap3A_533, %swap3A_534], %convert_element_type3A_532 {strides = array<i32>} : memref<40x2048xf32, #tpu.memory_space<vmem>>, vector<1x2048xf32>,
    %jit3A_536 = arith.constant -3.000000e+38 : f32
    %broadcast_in_dim3A_537 = vector.broadcast %jit3A_536 : f32 to vector<1x2048xf32>
    %select_n3A_538 = arith.select %eq3A_530, %broadcast_in_dim3A_537, %select_n3A_517 : vector<1x2048xi1>, vector<1x2048xf32>
    %reduce_max3A_539 = arith.constant dense<0xFF800000> : vector<1xf32>
    %reduce_max3A_540 = vector.multi_reduction <maximumf>, %select_n3A_538, %reduce_max3A_539 [1] : vector<1x2048xf32> to vector<1xf32>
    %broadcast_in_dim3A_541 = vector.shape_cast %reduce_max3A_540 : vector<1xf32> to vector<1x1xf32>
    %ge3A_542 = vector.broadcast %broadcast_in_dim3A_541 : vector<1x1xf32> to vector<1x2048xf32>
    %ge3A_543 = arith.cmpf oge, %select_n3A_538, %ge3A_542 : vector<1x2048xf32>
    %jit3A_544 = arith.constant 2048 : i32
    %broadcast_in_dim3A_545 = vector.broadcast %jit3A_544 : i32 to vector<1x2048xi32>
    %select_n3A_546 = arith.select %ge3A_543, %iota3A, %broadcast_in_dim3A_545 : vector<1x2048xi1>, vector<1x2048xi32>
    %reduce_min3A_547 = arith.constant dense<2147483647> : vector<1xi32>
    %reduce_min3A_548 = vector.multi_reduction <minsi>, %select_n3A_546, %reduce_min3A_547 [1] : vector<1x2048xi32> to vector<1xi32>
    %broadcast_in_dim3A_549 = vector.shape_cast %reduce_min3A_548 : vector<1xi32> to vector<1x1xi32>
    %eq3A_550 = vector.broadcast %broadcast_in_dim3A_549 : vector<1x1xi32> to vector<1x2048xi32>
    %eq3A_551 = arith.cmpi eq, %iota3A, %eq3A_550 : vector<1x2048xi32>
    %convert_element_type3A_552 = arith.extui %eq3A_551 : vector<1x2048xi1> to vector<1x2048xi32>
    %convert_element_type3A_553 = arith.sitofp %convert_element_type3A_552 : vector<1x2048xi32> to vector<1x2048xf32>
    %swap3A_554 = arith.constant 21 : index
    %swap3A_555 = arith.constant 0 : index
    %swap3A_556 = vector.load %arg7[%swap3A_554, %swap3A_555] : memref<40x2048xf32, #tpu.memory_space<vmem>>, vector<1x2048xf32>
    tpu.vector_store %arg7[%swap3A_554, %swap3A_555], %convert_element_type3A_553 {strides = array<i32>} : memref<40x2048xf32, #tpu.memory_space<vmem>>, vector<1x2048xf32>,
    %jit3A_557 = arith.constant -3.000000e+38 : f32
    %broadcast_in_dim3A_558 = vector.broadcast %jit3A_557 : f32 to vector<1x2048xf32>
    %select_n3A_559 = arith.select %eq3A_551, %broadcast_in_dim3A_558, %select_n3A_538 : vector<1x2048xi1>, vector<1x2048xf32>
    %reduce_max3A_560 = arith.constant dense<0xFF800000> : vector<1xf32>
    %reduce_max3A_561 = vector.multi_reduction <maximumf>, %select_n3A_559, %reduce_max3A_560 [1] : vector<1x2048xf32> to vector<1xf32>
    %broadcast_in_dim3A_562 = vector.shape_cast %reduce_max3A_561 : vector<1xf32> to vector<1x1xf32>
    %ge3A_563 = vector.broadcast %broadcast_in_dim3A_562 : vector<1x1xf32> to vector<1x2048xf32>
    %ge3A_564 = arith.cmpf oge, %select_n3A_559, %ge3A_563 : vector<1x2048xf32>
    %jit3A_565 = arith.constant 2048 : i32
    %broadcast_in_dim3A_566 = vector.broadcast %jit3A_565 : i32 to vector<1x2048xi32>
    %select_n3A_567 = arith.select %ge3A_564, %iota3A, %broadcast_in_dim3A_566 : vector<1x2048xi1>, vector<1x2048xi32>
    %reduce_min3A_568 = arith.constant dense<2147483647> : vector<1xi32>
    %reduce_min3A_569 = vector.multi_reduction <minsi>, %select_n3A_567, %reduce_min3A_568 [1] : vector<1x2048xi32> to vector<1xi32>
    %broadcast_in_dim3A_570 = vector.shape_cast %reduce_min3A_569 : vector<1xi32> to vector<1x1xi32>
    %eq3A_571 = vector.broadcast %broadcast_in_dim3A_570 : vector<1x1xi32> to vector<1x2048xi32>
    %eq3A_572 = arith.cmpi eq, %iota3A, %eq3A_571 : vector<1x2048xi32>
    %convert_element_type3A_573 = arith.extui %eq3A_572 : vector<1x2048xi1> to vector<1x2048xi32>
    %convert_element_type3A_574 = arith.sitofp %convert_element_type3A_573 : vector<1x2048xi32> to vector<1x2048xf32>
    %swap3A_575 = arith.constant 22 : index
    %swap3A_576 = arith.constant 0 : index
    %swap3A_577 = vector.load %arg7[%swap3A_575, %swap3A_576] : memref<40x2048xf32, #tpu.memory_space<vmem>>, vector<1x2048xf32>
    tpu.vector_store %arg7[%swap3A_575, %swap3A_576], %convert_element_type3A_574 {strides = array<i32>} : memref<40x2048xf32, #tpu.memory_space<vmem>>, vector<1x2048xf32>,
    %jit3A_578 = arith.constant -3.000000e+38 : f32
    %broadcast_in_dim3A_579 = vector.broadcast %jit3A_578 : f32 to vector<1x2048xf32>
    %select_n3A_580 = arith.select %eq3A_572, %broadcast_in_dim3A_579, %select_n3A_559 : vector<1x2048xi1>, vector<1x2048xf32>
    %reduce_max3A_581 = arith.constant dense<0xFF800000> : vector<1xf32>
    %reduce_max3A_582 = vector.multi_reduction <maximumf>, %select_n3A_580, %reduce_max3A_581 [1] : vector<1x2048xf32> to vector<1xf32>
    %broadcast_in_dim3A_583 = vector.shape_cast %reduce_max3A_582 : vector<1xf32> to vector<1x1xf32>
    %ge3A_584 = vector.broadcast %broadcast_in_dim3A_583 : vector<1x1xf32> to vector<1x2048xf32>
    %ge3A_585 = arith.cmpf oge, %select_n3A_580, %ge3A_584 : vector<1x2048xf32>
    %jit3A_586 = arith.constant 2048 : i32
    %broadcast_in_dim3A_587 = vector.broadcast %jit3A_586 : i32 to vector<1x2048xi32>
    %select_n3A_588 = arith.select %ge3A_585, %iota3A, %broadcast_in_dim3A_587 : vector<1x2048xi1>, vector<1x2048xi32>
    %reduce_min3A_589 = arith.constant dense<2147483647> : vector<1xi32>
    %reduce_min3A_590 = vector.multi_reduction <minsi>, %select_n3A_588, %reduce_min3A_589 [1] : vector<1x2048xi32> to vector<1xi32>
    %broadcast_in_dim3A_591 = vector.shape_cast %reduce_min3A_590 : vector<1xi32> to vector<1x1xi32>
    %eq3A_592 = vector.broadcast %broadcast_in_dim3A_591 : vector<1x1xi32> to vector<1x2048xi32>
    %eq3A_593 = arith.cmpi eq, %iota3A, %eq3A_592 : vector<1x2048xi32>
    %convert_element_type3A_594 = arith.extui %eq3A_593 : vector<1x2048xi1> to vector<1x2048xi32>
    %convert_element_type3A_595 = arith.sitofp %convert_element_type3A_594 : vector<1x2048xi32> to vector<1x2048xf32>
    %swap3A_596 = arith.constant 23 : index
    %swap3A_597 = arith.constant 0 : index
    %swap3A_598 = vector.load %arg7[%swap3A_596, %swap3A_597] : memref<40x2048xf32, #tpu.memory_space<vmem>>, vector<1x2048xf32>
    tpu.vector_store %arg7[%swap3A_596, %swap3A_597], %convert_element_type3A_595 {strides = array<i32>} : memref<40x2048xf32, #tpu.memory_space<vmem>>, vector<1x2048xf32>,
    %jit3A_599 = arith.constant -3.000000e+38 : f32
    %broadcast_in_dim3A_600 = vector.broadcast %jit3A_599 : f32 to vector<1x2048xf32>
    %select_n3A_601 = arith.select %eq3A_593, %broadcast_in_dim3A_600, %select_n3A_580 : vector<1x2048xi1>, vector<1x2048xf32>
    %reduce_max3A_602 = arith.constant dense<0xFF800000> : vector<1xf32>
    %reduce_max3A_603 = vector.multi_reduction <maximumf>, %select_n3A_601, %reduce_max3A_602 [1] : vector<1x2048xf32> to vector<1xf32>
    %broadcast_in_dim3A_604 = vector.shape_cast %reduce_max3A_603 : vector<1xf32> to vector<1x1xf32>
    %ge3A_605 = vector.broadcast %broadcast_in_dim3A_604 : vector<1x1xf32> to vector<1x2048xf32>
    %ge3A_606 = arith.cmpf oge, %select_n3A_601, %ge3A_605 : vector<1x2048xf32>
    %jit3A_607 = arith.constant 2048 : i32
    %broadcast_in_dim3A_608 = vector.broadcast %jit3A_607 : i32 to vector<1x2048xi32>
    %select_n3A_609 = arith.select %ge3A_606, %iota3A, %broadcast_in_dim3A_608 : vector<1x2048xi1>, vector<1x2048xi32>
    %reduce_min3A_610 = arith.constant dense<2147483647> : vector<1xi32>
    %reduce_min3A_611 = vector.multi_reduction <minsi>, %select_n3A_609, %reduce_min3A_610 [1] : vector<1x2048xi32> to vector<1xi32>
    %broadcast_in_dim3A_612 = vector.shape_cast %reduce_min3A_611 : vector<1xi32> to vector<1x1xi32>
    %eq3A_613 = vector.broadcast %broadcast_in_dim3A_612 : vector<1x1xi32> to vector<1x2048xi32>
    %eq3A_614 = arith.cmpi eq, %iota3A, %eq3A_613 : vector<1x2048xi32>
    %convert_element_type3A_615 = arith.extui %eq3A_614 : vector<1x2048xi1> to vector<1x2048xi32>
    %convert_element_type3A_616 = arith.sitofp %convert_element_type3A_615 : vector<1x2048xi32> to vector<1x2048xf32>
    %swap3A_617 = arith.constant 24 : index
    %swap3A_618 = arith.constant 0 : index
    %swap3A_619 = vector.load %arg7[%swap3A_617, %swap3A_618] : memref<40x2048xf32, #tpu.memory_space<vmem>>, vector<1x2048xf32>
    tpu.vector_store %arg7[%swap3A_617, %swap3A_618], %convert_element_type3A_616 {strides = array<i32>} : memref<40x2048xf32, #tpu.memory_space<vmem>>, vector<1x2048xf32>,
    %jit3A_620 = arith.constant -3.000000e+38 : f32
    %broadcast_in_dim3A_621 = vector.broadcast %jit3A_620 : f32 to vector<1x2048xf32>
    %select_n3A_622 = arith.select %eq3A_614, %broadcast_in_dim3A_621, %select_n3A_601 : vector<1x2048xi1>, vector<1x2048xf32>
    %reduce_max3A_623 = arith.constant dense<0xFF800000> : vector<1xf32>
    %reduce_max3A_624 = vector.multi_reduction <maximumf>, %select_n3A_622, %reduce_max3A_623 [1] : vector<1x2048xf32> to vector<1xf32>
    %broadcast_in_dim3A_625 = vector.shape_cast %reduce_max3A_624 : vector<1xf32> to vector<1x1xf32>
    %ge3A_626 = vector.broadcast %broadcast_in_dim3A_625 : vector<1x1xf32> to vector<1x2048xf32>
    %ge3A_627 = arith.cmpf oge, %select_n3A_622, %ge3A_626 : vector<1x2048xf32>
    %jit3A_628 = arith.constant 2048 : i32
    %broadcast_in_dim3A_629 = vector.broadcast %jit3A_628 : i32 to vector<1x2048xi32>
    %select_n3A_630 = arith.select %ge3A_627, %iota3A, %broadcast_in_dim3A_629 : vector<1x2048xi1>, vector<1x2048xi32>
    %reduce_min3A_631 = arith.constant dense<2147483647> : vector<1xi32>
    %reduce_min3A_632 = vector.multi_reduction <minsi>, %select_n3A_630, %reduce_min3A_631 [1] : vector<1x2048xi32> to vector<1xi32>
    %broadcast_in_dim3A_633 = vector.shape_cast %reduce_min3A_632 : vector<1xi32> to vector<1x1xi32>
    %eq3A_634 = vector.broadcast %broadcast_in_dim3A_633 : vector<1x1xi32> to vector<1x2048xi32>
    %eq3A_635 = arith.cmpi eq, %iota3A, %eq3A_634 : vector<1x2048xi32>
    %convert_element_type3A_636 = arith.extui %eq3A_635 : vector<1x2048xi1> to vector<1x2048xi32>
    %convert_element_type3A_637 = arith.sitofp %convert_element_type3A_636 : vector<1x2048xi32> to vector<1x2048xf32>
    %swap3A_638 = arith.constant 25 : index
    %swap3A_639 = arith.constant 0 : index
    %swap3A_640 = vector.load %arg7[%swap3A_638, %swap3A_639] : memref<40x2048xf32, #tpu.memory_space<vmem>>, vector<1x2048xf32>
    tpu.vector_store %arg7[%swap3A_638, %swap3A_639], %convert_element_type3A_637 {strides = array<i32>} : memref<40x2048xf32, #tpu.memory_space<vmem>>, vector<1x2048xf32>,
    %jit3A_641 = arith.constant -3.000000e+38 : f32
    %broadcast_in_dim3A_642 = vector.broadcast %jit3A_641 : f32 to vector<1x2048xf32>
    %select_n3A_643 = arith.select %eq3A_635, %broadcast_in_dim3A_642, %select_n3A_622 : vector<1x2048xi1>, vector<1x2048xf32>
    %reduce_max3A_644 = arith.constant dense<0xFF800000> : vector<1xf32>
    %reduce_max3A_645 = vector.multi_reduction <maximumf>, %select_n3A_643, %reduce_max3A_644 [1] : vector<1x2048xf32> to vector<1xf32>
    %broadcast_in_dim3A_646 = vector.shape_cast %reduce_max3A_645 : vector<1xf32> to vector<1x1xf32>
    %ge3A_647 = vector.broadcast %broadcast_in_dim3A_646 : vector<1x1xf32> to vector<1x2048xf32>
    %ge3A_648 = arith.cmpf oge, %select_n3A_643, %ge3A_647 : vector<1x2048xf32>
    %jit3A_649 = arith.constant 2048 : i32
    %broadcast_in_dim3A_650 = vector.broadcast %jit3A_649 : i32 to vector<1x2048xi32>
    %select_n3A_651 = arith.select %ge3A_648, %iota3A, %broadcast_in_dim3A_650 : vector<1x2048xi1>, vector<1x2048xi32>
    %reduce_min3A_652 = arith.constant dense<2147483647> : vector<1xi32>
    %reduce_min3A_653 = vector.multi_reduction <minsi>, %select_n3A_651, %reduce_min3A_652 [1] : vector<1x2048xi32> to vector<1xi32>
    %broadcast_in_dim3A_654 = vector.shape_cast %reduce_min3A_653 : vector<1xi32> to vector<1x1xi32>
    %eq3A_655 = vector.broadcast %broadcast_in_dim3A_654 : vector<1x1xi32> to vector<1x2048xi32>
    %eq3A_656 = arith.cmpi eq, %iota3A, %eq3A_655 : vector<1x2048xi32>
    %convert_element_type3A_657 = arith.extui %eq3A_656 : vector<1x2048xi1> to vector<1x2048xi32>
    %convert_element_type3A_658 = arith.sitofp %convert_element_type3A_657 : vector<1x2048xi32> to vector<1x2048xf32>
    %swap3A_659 = arith.constant 26 : index
    %swap3A_660 = arith.constant 0 : index
    %swap3A_661 = vector.load %arg7[%swap3A_659, %swap3A_660] : memref<40x2048xf32, #tpu.memory_space<vmem>>, vector<1x2048xf32>
    tpu.vector_store %arg7[%swap3A_659, %swap3A_660], %convert_element_type3A_658 {strides = array<i32>} : memref<40x2048xf32, #tpu.memory_space<vmem>>, vector<1x2048xf32>,
    %jit3A_662 = arith.constant -3.000000e+38 : f32
    %broadcast_in_dim3A_663 = vector.broadcast %jit3A_662 : f32 to vector<1x2048xf32>
    %select_n3A_664 = arith.select %eq3A_656, %broadcast_in_dim3A_663, %select_n3A_643 : vector<1x2048xi1>, vector<1x2048xf32>
    %reduce_max3A_665 = arith.constant dense<0xFF800000> : vector<1xf32>
    %reduce_max3A_666 = vector.multi_reduction <maximumf>, %select_n3A_664, %reduce_max3A_665 [1] : vector<1x2048xf32> to vector<1xf32>
    %broadcast_in_dim3A_667 = vector.shape_cast %reduce_max3A_666 : vector<1xf32> to vector<1x1xf32>
    %ge3A_668 = vector.broadcast %broadcast_in_dim3A_667 : vector<1x1xf32> to vector<1x2048xf32>
    %ge3A_669 = arith.cmpf oge, %select_n3A_664, %ge3A_668 : vector<1x2048xf32>
    %jit3A_670 = arith.constant 2048 : i32
    %broadcast_in_dim3A_671 = vector.broadcast %jit3A_670 : i32 to vector<1x2048xi32>
    %select_n3A_672 = arith.select %ge3A_669, %iota3A, %broadcast_in_dim3A_671 : vector<1x2048xi1>, vector<1x2048xi32>
    %reduce_min3A_673 = arith.constant dense<2147483647> : vector<1xi32>
    %reduce_min3A_674 = vector.multi_reduction <minsi>, %select_n3A_672, %reduce_min3A_673 [1] : vector<1x2048xi32> to vector<1xi32>
    %broadcast_in_dim3A_675 = vector.shape_cast %reduce_min3A_674 : vector<1xi32> to vector<1x1xi32>
    %eq3A_676 = vector.broadcast %broadcast_in_dim3A_675 : vector<1x1xi32> to vector<1x2048xi32>
    %eq3A_677 = arith.cmpi eq, %iota3A, %eq3A_676 : vector<1x2048xi32>
    %convert_element_type3A_678 = arith.extui %eq3A_677 : vector<1x2048xi1> to vector<1x2048xi32>
    %convert_element_type3A_679 = arith.sitofp %convert_element_type3A_678 : vector<1x2048xi32> to vector<1x2048xf32>
    %swap3A_680 = arith.constant 27 : index
    %swap3A_681 = arith.constant 0 : index
    %swap3A_682 = vector.load %arg7[%swap3A_680, %swap3A_681] : memref<40x2048xf32, #tpu.memory_space<vmem>>, vector<1x2048xf32>
    tpu.vector_store %arg7[%swap3A_680, %swap3A_681], %convert_element_type3A_679 {strides = array<i32>} : memref<40x2048xf32, #tpu.memory_space<vmem>>, vector<1x2048xf32>,
    %jit3A_683 = arith.constant -3.000000e+38 : f32
    %broadcast_in_dim3A_684 = vector.broadcast %jit3A_683 : f32 to vector<1x2048xf32>
    %select_n3A_685 = arith.select %eq3A_677, %broadcast_in_dim3A_684, %select_n3A_664 : vector<1x2048xi1>, vector<1x2048xf32>
    %reduce_max3A_686 = arith.constant dense<0xFF800000> : vector<1xf32>
    %reduce_max3A_687 = vector.multi_reduction <maximumf>, %select_n3A_685, %reduce_max3A_686 [1] : vector<1x2048xf32> to vector<1xf32>
    %broadcast_in_dim3A_688 = vector.shape_cast %reduce_max3A_687 : vector<1xf32> to vector<1x1xf32>
    %ge3A_689 = vector.broadcast %broadcast_in_dim3A_688 : vector<1x1xf32> to vector<1x2048xf32>
    %ge3A_690 = arith.cmpf oge, %select_n3A_685, %ge3A_689 : vector<1x2048xf32>
    %jit3A_691 = arith.constant 2048 : i32
    %broadcast_in_dim3A_692 = vector.broadcast %jit3A_691 : i32 to vector<1x2048xi32>
    %select_n3A_693 = arith.select %ge3A_690, %iota3A, %broadcast_in_dim3A_692 : vector<1x2048xi1>, vector<1x2048xi32>
    %reduce_min3A_694 = arith.constant dense<2147483647> : vector<1xi32>
    %reduce_min3A_695 = vector.multi_reduction <minsi>, %select_n3A_693, %reduce_min3A_694 [1] : vector<1x2048xi32> to vector<1xi32>
    %broadcast_in_dim3A_696 = vector.shape_cast %reduce_min3A_695 : vector<1xi32> to vector<1x1xi32>
    %eq3A_697 = vector.broadcast %broadcast_in_dim3A_696 : vector<1x1xi32> to vector<1x2048xi32>
    %eq3A_698 = arith.cmpi eq, %iota3A, %eq3A_697 : vector<1x2048xi32>
    %convert_element_type3A_699 = arith.extui %eq3A_698 : vector<1x2048xi1> to vector<1x2048xi32>
    %convert_element_type3A_700 = arith.sitofp %convert_element_type3A_699 : vector<1x2048xi32> to vector<1x2048xf32>
    %swap3A_701 = arith.constant 28 : index
    %swap3A_702 = arith.constant 0 : index
    %swap3A_703 = vector.load %arg7[%swap3A_701, %swap3A_702] : memref<40x2048xf32, #tpu.memory_space<vmem>>, vector<1x2048xf32>
    tpu.vector_store %arg7[%swap3A_701, %swap3A_702], %convert_element_type3A_700 {strides = array<i32>} : memref<40x2048xf32, #tpu.memory_space<vmem>>, vector<1x2048xf32>,
    %jit3A_704 = arith.constant -3.000000e+38 : f32
    %broadcast_in_dim3A_705 = vector.broadcast %jit3A_704 : f32 to vector<1x2048xf32>
    %select_n3A_706 = arith.select %eq3A_698, %broadcast_in_dim3A_705, %select_n3A_685 : vector<1x2048xi1>, vector<1x2048xf32>
    %reduce_max3A_707 = arith.constant dense<0xFF800000> : vector<1xf32>
    %reduce_max3A_708 = vector.multi_reduction <maximumf>, %select_n3A_706, %reduce_max3A_707 [1] : vector<1x2048xf32> to vector<1xf32>
    %broadcast_in_dim3A_709 = vector.shape_cast %reduce_max3A_708 : vector<1xf32> to vector<1x1xf32>
    %ge3A_710 = vector.broadcast %broadcast_in_dim3A_709 : vector<1x1xf32> to vector<1x2048xf32>
    %ge3A_711 = arith.cmpf oge, %select_n3A_706, %ge3A_710 : vector<1x2048xf32>
    %jit3A_712 = arith.constant 2048 : i32
    %broadcast_in_dim3A_713 = vector.broadcast %jit3A_712 : i32 to vector<1x2048xi32>
    %select_n3A_714 = arith.select %ge3A_711, %iota3A, %broadcast_in_dim3A_713 : vector<1x2048xi1>, vector<1x2048xi32>
    %reduce_min3A_715 = arith.constant dense<2147483647> : vector<1xi32>
    %reduce_min3A_716 = vector.multi_reduction <minsi>, %select_n3A_714, %reduce_min3A_715 [1] : vector<1x2048xi32> to vector<1xi32>
    %broadcast_in_dim3A_717 = vector.shape_cast %reduce_min3A_716 : vector<1xi32> to vector<1x1xi32>
    %eq3A_718 = vector.broadcast %broadcast_in_dim3A_717 : vector<1x1xi32> to vector<1x2048xi32>
    %eq3A_719 = arith.cmpi eq, %iota3A, %eq3A_718 : vector<1x2048xi32>
    %convert_element_type3A_720 = arith.extui %eq3A_719 : vector<1x2048xi1> to vector<1x2048xi32>
    %convert_element_type3A_721 = arith.sitofp %convert_element_type3A_720 : vector<1x2048xi32> to vector<1x2048xf32>
    %swap3A_722 = arith.constant 29 : index
    %swap3A_723 = arith.constant 0 : index
    %swap3A_724 = vector.load %arg7[%swap3A_722, %swap3A_723] : memref<40x2048xf32, #tpu.memory_space<vmem>>, vector<1x2048xf32>
    tpu.vector_store %arg7[%swap3A_722, %swap3A_723], %convert_element_type3A_721 {strides = array<i32>} : memref<40x2048xf32, #tpu.memory_space<vmem>>, vector<1x2048xf32>,
    %jit3A_725 = arith.constant -3.000000e+38 : f32
    %broadcast_in_dim3A_726 = vector.broadcast %jit3A_725 : f32 to vector<1x2048xf32>
    %select_n3A_727 = arith.select %eq3A_719, %broadcast_in_dim3A_726, %select_n3A_706 : vector<1x2048xi1>, vector<1x2048xf32>
    %reduce_max3A_728 = arith.constant dense<0xFF800000> : vector<1xf32>
    %reduce_max3A_729 = vector.multi_reduction <maximumf>, %select_n3A_727, %reduce_max3A_728 [1] : vector<1x2048xf32> to vector<1xf32>
    %broadcast_in_dim3A_730 = vector.shape_cast %reduce_max3A_729 : vector<1xf32> to vector<1x1xf32>
    %ge3A_731 = vector.broadcast %broadcast_in_dim3A_730 : vector<1x1xf32> to vector<1x2048xf32>
    %ge3A_732 = arith.cmpf oge, %select_n3A_727, %ge3A_731 : vector<1x2048xf32>
    %jit3A_733 = arith.constant 2048 : i32
    %broadcast_in_dim3A_734 = vector.broadcast %jit3A_733 : i32 to vector<1x2048xi32>
    %select_n3A_735 = arith.select %ge3A_732, %iota3A, %broadcast_in_dim3A_734 : vector<1x2048xi1>, vector<1x2048xi32>
    %reduce_min3A_736 = arith.constant dense<2147483647> : vector<1xi32>
    %reduce_min3A_737 = vector.multi_reduction <minsi>, %select_n3A_735, %reduce_min3A_736 [1] : vector<1x2048xi32> to vector<1xi32>
    %broadcast_in_dim3A_738 = vector.shape_cast %reduce_min3A_737 : vector<1xi32> to vector<1x1xi32>
    %eq3A_739 = vector.broadcast %broadcast_in_dim3A_738 : vector<1x1xi32> to vector<1x2048xi32>
    %eq3A_740 = arith.cmpi eq, %iota3A, %eq3A_739 : vector<1x2048xi32>
    %convert_element_type3A_741 = arith.extui %eq3A_740 : vector<1x2048xi1> to vector<1x2048xi32>
    %convert_element_type3A_742 = arith.sitofp %convert_element_type3A_741 : vector<1x2048xi32> to vector<1x2048xf32>
    %swap3A_743 = arith.constant 30 : index
    %swap3A_744 = arith.constant 0 : index
    %swap3A_745 = vector.load %arg7[%swap3A_743, %swap3A_744] : memref<40x2048xf32, #tpu.memory_space<vmem>>, vector<1x2048xf32>
    tpu.vector_store %arg7[%swap3A_743, %swap3A_744], %convert_element_type3A_742 {strides = array<i32>} : memref<40x2048xf32, #tpu.memory_space<vmem>>, vector<1x2048xf32>,
    %jit3A_746 = arith.constant -3.000000e+38 : f32
    %broadcast_in_dim3A_747 = vector.broadcast %jit3A_746 : f32 to vector<1x2048xf32>
    %select_n3A_748 = arith.select %eq3A_740, %broadcast_in_dim3A_747, %select_n3A_727 : vector<1x2048xi1>, vector<1x2048xf32>
    %reduce_max3A_749 = arith.constant dense<0xFF800000> : vector<1xf32>
    %reduce_max3A_750 = vector.multi_reduction <maximumf>, %select_n3A_748, %reduce_max3A_749 [1] : vector<1x2048xf32> to vector<1xf32>
    %broadcast_in_dim3A_751 = vector.shape_cast %reduce_max3A_750 : vector<1xf32> to vector<1x1xf32>
    %ge3A_752 = vector.broadcast %broadcast_in_dim3A_751 : vector<1x1xf32> to vector<1x2048xf32>
    %ge3A_753 = arith.cmpf oge, %select_n3A_748, %ge3A_752 : vector<1x2048xf32>
    %jit3A_754 = arith.constant 2048 : i32
    %broadcast_in_dim3A_755 = vector.broadcast %jit3A_754 : i32 to vector<1x2048xi32>
    %select_n3A_756 = arith.select %ge3A_753, %iota3A, %broadcast_in_dim3A_755 : vector<1x2048xi1>, vector<1x2048xi32>
    %reduce_min3A_757 = arith.constant dense<2147483647> : vector<1xi32>
    %reduce_min3A_758 = vector.multi_reduction <minsi>, %select_n3A_756, %reduce_min3A_757 [1] : vector<1x2048xi32> to vector<1xi32>
    %broadcast_in_dim3A_759 = vector.shape_cast %reduce_min3A_758 : vector<1xi32> to vector<1x1xi32>
    %eq3A_760 = vector.broadcast %broadcast_in_dim3A_759 : vector<1x1xi32> to vector<1x2048xi32>
    %eq3A_761 = arith.cmpi eq, %iota3A, %eq3A_760 : vector<1x2048xi32>
    %convert_element_type3A_762 = arith.extui %eq3A_761 : vector<1x2048xi1> to vector<1x2048xi32>
    %convert_element_type3A_763 = arith.sitofp %convert_element_type3A_762 : vector<1x2048xi32> to vector<1x2048xf32>
    %swap3A_764 = arith.constant 31 : index
    %swap3A_765 = arith.constant 0 : index
    %swap3A_766 = vector.load %arg7[%swap3A_764, %swap3A_765] : memref<40x2048xf32, #tpu.memory_space<vmem>>, vector<1x2048xf32>
    tpu.vector_store %arg7[%swap3A_764, %swap3A_765], %convert_element_type3A_763 {strides = array<i32>} : memref<40x2048xf32, #tpu.memory_space<vmem>>, vector<1x2048xf32>,
    %jit3A_767 = arith.constant -3.000000e+38 : f32
    %broadcast_in_dim3A_768 = vector.broadcast %jit3A_767 : f32 to vector<1x2048xf32>
    %select_n3A_769 = arith.select %eq3A_761, %broadcast_in_dim3A_768, %select_n3A_748 : vector<1x2048xi1>, vector<1x2048xf32>
    %reduce_max3A_770 = arith.constant dense<0xFF800000> : vector<1xf32>
    %reduce_max3A_771 = vector.multi_reduction <maximumf>, %select_n3A_769, %reduce_max3A_770 [1] : vector<1x2048xf32> to vector<1xf32>
    %broadcast_in_dim3A_772 = vector.shape_cast %reduce_max3A_771 : vector<1xf32> to vector<1x1xf32>
    %ge3A_773 = vector.broadcast %broadcast_in_dim3A_772 : vector<1x1xf32> to vector<1x2048xf32>
    %ge3A_774 = arith.cmpf oge, %select_n3A_769, %ge3A_773 : vector<1x2048xf32>
    %jit3A_775 = arith.constant 2048 : i32
    %broadcast_in_dim3A_776 = vector.broadcast %jit3A_775 : i32 to vector<1x2048xi32>
    %select_n3A_777 = arith.select %ge3A_774, %iota3A, %broadcast_in_dim3A_776 : vector<1x2048xi1>, vector<1x2048xi32>
    %reduce_min3A_778 = arith.constant dense<2147483647> : vector<1xi32>
    %reduce_min3A_779 = vector.multi_reduction <minsi>, %select_n3A_777, %reduce_min3A_778 [1] : vector<1x2048xi32> to vector<1xi32>
    %broadcast_in_dim3A_780 = vector.shape_cast %reduce_min3A_779 : vector<1xi32> to vector<1x1xi32>
    %eq3A_781 = vector.broadcast %broadcast_in_dim3A_780 : vector<1x1xi32> to vector<1x2048xi32>
    %eq3A_782 = arith.cmpi eq, %iota3A, %eq3A_781 : vector<1x2048xi32>
    %convert_element_type3A_783 = arith.extui %eq3A_782 : vector<1x2048xi1> to vector<1x2048xi32>
    %convert_element_type3A_784 = arith.sitofp %convert_element_type3A_783 : vector<1x2048xi32> to vector<1x2048xf32>
    %swap3A_785 = arith.constant 32 : index
    %swap3A_786 = arith.constant 0 : index
    %swap3A_787 = vector.load %arg7[%swap3A_785, %swap3A_786] : memref<40x2048xf32, #tpu.memory_space<vmem>>, vector<1x2048xf32>
    tpu.vector_store %arg7[%swap3A_785, %swap3A_786], %convert_element_type3A_784 {strides = array<i32>} : memref<40x2048xf32, #tpu.memory_space<vmem>>, vector<1x2048xf32>,
    %jit3A_788 = arith.constant -3.000000e+38 : f32
    %broadcast_in_dim3A_789 = vector.broadcast %jit3A_788 : f32 to vector<1x2048xf32>
    %select_n3A_790 = arith.select %eq3A_782, %broadcast_in_dim3A_789, %select_n3A_769 : vector<1x2048xi1>, vector<1x2048xf32>
    %reduce_max3A_791 = arith.constant dense<0xFF800000> : vector<1xf32>
    %reduce_max3A_792 = vector.multi_reduction <maximumf>, %select_n3A_790, %reduce_max3A_791 [1] : vector<1x2048xf32> to vector<1xf32>
    %broadcast_in_dim3A_793 = vector.shape_cast %reduce_max3A_792 : vector<1xf32> to vector<1x1xf32>
    %ge3A_794 = vector.broadcast %broadcast_in_dim3A_793 : vector<1x1xf32> to vector<1x2048xf32>
    %ge3A_795 = arith.cmpf oge, %select_n3A_790, %ge3A_794 : vector<1x2048xf32>
    %jit3A_796 = arith.constant 2048 : i32
    %broadcast_in_dim3A_797 = vector.broadcast %jit3A_796 : i32 to vector<1x2048xi32>
    %select_n3A_798 = arith.select %ge3A_795, %iota3A, %broadcast_in_dim3A_797 : vector<1x2048xi1>, vector<1x2048xi32>
    %reduce_min3A_799 = arith.constant dense<2147483647> : vector<1xi32>
    %reduce_min3A_800 = vector.multi_reduction <minsi>, %select_n3A_798, %reduce_min3A_799 [1] : vector<1x2048xi32> to vector<1xi32>
    %broadcast_in_dim3A_801 = vector.shape_cast %reduce_min3A_800 : vector<1xi32> to vector<1x1xi32>
    %eq3A_802 = vector.broadcast %broadcast_in_dim3A_801 : vector<1x1xi32> to vector<1x2048xi32>
    %eq3A_803 = arith.cmpi eq, %iota3A, %eq3A_802 : vector<1x2048xi32>
    %convert_element_type3A_804 = arith.extui %eq3A_803 : vector<1x2048xi1> to vector<1x2048xi32>
    %convert_element_type3A_805 = arith.sitofp %convert_element_type3A_804 : vector<1x2048xi32> to vector<1x2048xf32>
    %swap3A_806 = arith.constant 33 : index
    %swap3A_807 = arith.constant 0 : index
    %swap3A_808 = vector.load %arg7[%swap3A_806, %swap3A_807] : memref<40x2048xf32, #tpu.memory_space<vmem>>, vector<1x2048xf32>
    tpu.vector_store %arg7[%swap3A_806, %swap3A_807], %convert_element_type3A_805 {strides = array<i32>} : memref<40x2048xf32, #tpu.memory_space<vmem>>, vector<1x2048xf32>,
    %jit3A_809 = arith.constant -3.000000e+38 : f32
    %broadcast_in_dim3A_810 = vector.broadcast %jit3A_809 : f32 to vector<1x2048xf32>
    %select_n3A_811 = arith.select %eq3A_803, %broadcast_in_dim3A_810, %select_n3A_790 : vector<1x2048xi1>, vector<1x2048xf32>
    %reduce_max3A_812 = arith.constant dense<0xFF800000> : vector<1xf32>
    %reduce_max3A_813 = vector.multi_reduction <maximumf>, %select_n3A_811, %reduce_max3A_812 [1] : vector<1x2048xf32> to vector<1xf32>
    %broadcast_in_dim3A_814 = vector.shape_cast %reduce_max3A_813 : vector<1xf32> to vector<1x1xf32>
    %ge3A_815 = vector.broadcast %broadcast_in_dim3A_814 : vector<1x1xf32> to vector<1x2048xf32>
    %ge3A_816 = arith.cmpf oge, %select_n3A_811, %ge3A_815 : vector<1x2048xf32>
    %jit3A_817 = arith.constant 2048 : i32
    %broadcast_in_dim3A_818 = vector.broadcast %jit3A_817 : i32 to vector<1x2048xi32>
    %select_n3A_819 = arith.select %ge3A_816, %iota3A, %broadcast_in_dim3A_818 : vector<1x2048xi1>, vector<1x2048xi32>
    %reduce_min3A_820 = arith.constant dense<2147483647> : vector<1xi32>
    %reduce_min3A_821 = vector.multi_reduction <minsi>, %select_n3A_819, %reduce_min3A_820 [1] : vector<1x2048xi32> to vector<1xi32>
    %broadcast_in_dim3A_822 = vector.shape_cast %reduce_min3A_821 : vector<1xi32> to vector<1x1xi32>
    %eq3A_823 = vector.broadcast %broadcast_in_dim3A_822 : vector<1x1xi32> to vector<1x2048xi32>
    %eq3A_824 = arith.cmpi eq, %iota3A, %eq3A_823 : vector<1x2048xi32>
    %convert_element_type3A_825 = arith.extui %eq3A_824 : vector<1x2048xi1> to vector<1x2048xi32>
    %convert_element_type3A_826 = arith.sitofp %convert_element_type3A_825 : vector<1x2048xi32> to vector<1x2048xf32>
    %swap3A_827 = arith.constant 34 : index
    %swap3A_828 = arith.constant 0 : index
    %swap3A_829 = vector.load %arg7[%swap3A_827, %swap3A_828] : memref<40x2048xf32, #tpu.memory_space<vmem>>, vector<1x2048xf32>
    tpu.vector_store %arg7[%swap3A_827, %swap3A_828], %convert_element_type3A_826 {strides = array<i32>} : memref<40x2048xf32, #tpu.memory_space<vmem>>, vector<1x2048xf32>,
    %jit3A_830 = arith.constant -3.000000e+38 : f32
    %broadcast_in_dim3A_831 = vector.broadcast %jit3A_830 : f32 to vector<1x2048xf32>
    %select_n3A_832 = arith.select %eq3A_824, %broadcast_in_dim3A_831, %select_n3A_811 : vector<1x2048xi1>, vector<1x2048xf32>
    %reduce_max3A_833 = arith.constant dense<0xFF800000> : vector<1xf32>
    %reduce_max3A_834 = vector.multi_reduction <maximumf>, %select_n3A_832, %reduce_max3A_833 [1] : vector<1x2048xf32> to vector<1xf32>
    %broadcast_in_dim3A_835 = vector.shape_cast %reduce_max3A_834 : vector<1xf32> to vector<1x1xf32>
    %ge3A_836 = vector.broadcast %broadcast_in_dim3A_835 : vector<1x1xf32> to vector<1x2048xf32>
    %ge3A_837 = arith.cmpf oge, %select_n3A_832, %ge3A_836 : vector<1x2048xf32>
    %jit3A_838 = arith.constant 2048 : i32
    %broadcast_in_dim3A_839 = vector.broadcast %jit3A_838 : i32 to vector<1x2048xi32>
    %select_n3A_840 = arith.select %ge3A_837, %iota3A, %broadcast_in_dim3A_839 : vector<1x2048xi1>, vector<1x2048xi32>
    %reduce_min3A_841 = arith.constant dense<2147483647> : vector<1xi32>
    %reduce_min3A_842 = vector.multi_reduction <minsi>, %select_n3A_840, %reduce_min3A_841 [1] : vector<1x2048xi32> to vector<1xi32>
    %broadcast_in_dim3A_843 = vector.shape_cast %reduce_min3A_842 : vector<1xi32> to vector<1x1xi32>
    %eq3A_844 = vector.broadcast %broadcast_in_dim3A_843 : vector<1x1xi32> to vector<1x2048xi32>
    %eq3A_845 = arith.cmpi eq, %iota3A, %eq3A_844 : vector<1x2048xi32>
    %convert_element_type3A_846 = arith.extui %eq3A_845 : vector<1x2048xi1> to vector<1x2048xi32>
    %convert_element_type3A_847 = arith.sitofp %convert_element_type3A_846 : vector<1x2048xi32> to vector<1x2048xf32>
    %swap3A_848 = arith.constant 35 : index
    %swap3A_849 = arith.constant 0 : index
    %swap3A_850 = vector.load %arg7[%swap3A_848, %swap3A_849] : memref<40x2048xf32, #tpu.memory_space<vmem>>, vector<1x2048xf32>
    tpu.vector_store %arg7[%swap3A_848, %swap3A_849], %convert_element_type3A_847 {strides = array<i32>} : memref<40x2048xf32, #tpu.memory_space<vmem>>, vector<1x2048xf32>,
    %jit3A_851 = arith.constant -3.000000e+38 : f32
    %broadcast_in_dim3A_852 = vector.broadcast %jit3A_851 : f32 to vector<1x2048xf32>
    %select_n3A_853 = arith.select %eq3A_845, %broadcast_in_dim3A_852, %select_n3A_832 : vector<1x2048xi1>, vector<1x2048xf32>
    %reduce_max3A_854 = arith.constant dense<0xFF800000> : vector<1xf32>
    %reduce_max3A_855 = vector.multi_reduction <maximumf>, %select_n3A_853, %reduce_max3A_854 [1] : vector<1x2048xf32> to vector<1xf32>
    %broadcast_in_dim3A_856 = vector.shape_cast %reduce_max3A_855 : vector<1xf32> to vector<1x1xf32>
    %ge3A_857 = vector.broadcast %broadcast_in_dim3A_856 : vector<1x1xf32> to vector<1x2048xf32>
    %ge3A_858 = arith.cmpf oge, %select_n3A_853, %ge3A_857 : vector<1x2048xf32>
    %jit3A_859 = arith.constant 2048 : i32
    %broadcast_in_dim3A_860 = vector.broadcast %jit3A_859 : i32 to vector<1x2048xi32>
    %select_n3A_861 = arith.select %ge3A_858, %iota3A, %broadcast_in_dim3A_860 : vector<1x2048xi1>, vector<1x2048xi32>
    %reduce_min3A_862 = arith.constant dense<2147483647> : vector<1xi32>
    %reduce_min3A_863 = vector.multi_reduction <minsi>, %select_n3A_861, %reduce_min3A_862 [1] : vector<1x2048xi32> to vector<1xi32>
    %broadcast_in_dim3A_864 = vector.shape_cast %reduce_min3A_863 : vector<1xi32> to vector<1x1xi32>
    %eq3A_865 = vector.broadcast %broadcast_in_dim3A_864 : vector<1x1xi32> to vector<1x2048xi32>
    %eq3A_866 = arith.cmpi eq, %iota3A, %eq3A_865 : vector<1x2048xi32>
    %convert_element_type3A_867 = arith.extui %eq3A_866 : vector<1x2048xi1> to vector<1x2048xi32>
    %convert_element_type3A_868 = arith.sitofp %convert_element_type3A_867 : vector<1x2048xi32> to vector<1x2048xf32>
    %swap3A_869 = arith.constant 36 : index
    %swap3A_870 = arith.constant 0 : index
    %swap3A_871 = vector.load %arg7[%swap3A_869, %swap3A_870] : memref<40x2048xf32, #tpu.memory_space<vmem>>, vector<1x2048xf32>
    tpu.vector_store %arg7[%swap3A_869, %swap3A_870], %convert_element_type3A_868 {strides = array<i32>} : memref<40x2048xf32, #tpu.memory_space<vmem>>, vector<1x2048xf32>,
    %jit3A_872 = arith.constant -3.000000e+38 : f32
    %broadcast_in_dim3A_873 = vector.broadcast %jit3A_872 : f32 to vector<1x2048xf32>
    %select_n3A_874 = arith.select %eq3A_866, %broadcast_in_dim3A_873, %select_n3A_853 : vector<1x2048xi1>, vector<1x2048xf32>
    %reduce_max3A_875 = arith.constant dense<0xFF800000> : vector<1xf32>
    %reduce_max3A_876 = vector.multi_reduction <maximumf>, %select_n3A_874, %reduce_max3A_875 [1] : vector<1x2048xf32> to vector<1xf32>
    %broadcast_in_dim3A_877 = vector.shape_cast %reduce_max3A_876 : vector<1xf32> to vector<1x1xf32>
    %ge3A_878 = vector.broadcast %broadcast_in_dim3A_877 : vector<1x1xf32> to vector<1x2048xf32>
    %ge3A_879 = arith.cmpf oge, %select_n3A_874, %ge3A_878 : vector<1x2048xf32>
    %jit3A_880 = arith.constant 2048 : i32
    %broadcast_in_dim3A_881 = vector.broadcast %jit3A_880 : i32 to vector<1x2048xi32>
    %select_n3A_882 = arith.select %ge3A_879, %iota3A, %broadcast_in_dim3A_881 : vector<1x2048xi1>, vector<1x2048xi32>
    %reduce_min3A_883 = arith.constant dense<2147483647> : vector<1xi32>
    %reduce_min3A_884 = vector.multi_reduction <minsi>, %select_n3A_882, %reduce_min3A_883 [1] : vector<1x2048xi32> to vector<1xi32>
    %broadcast_in_dim3A_885 = vector.shape_cast %reduce_min3A_884 : vector<1xi32> to vector<1x1xi32>
    %eq3A_886 = vector.broadcast %broadcast_in_dim3A_885 : vector<1x1xi32> to vector<1x2048xi32>
    %eq3A_887 = arith.cmpi eq, %iota3A, %eq3A_886 : vector<1x2048xi32>
    %convert_element_type3A_888 = arith.extui %eq3A_887 : vector<1x2048xi1> to vector<1x2048xi32>
    %convert_element_type3A_889 = arith.sitofp %convert_element_type3A_888 : vector<1x2048xi32> to vector<1x2048xf32>
    %swap3A_890 = arith.constant 37 : index
    %swap3A_891 = arith.constant 0 : index
    %swap3A_892 = vector.load %arg7[%swap3A_890, %swap3A_891] : memref<40x2048xf32, #tpu.memory_space<vmem>>, vector<1x2048xf32>
    tpu.vector_store %arg7[%swap3A_890, %swap3A_891], %convert_element_type3A_889 {strides = array<i32>} : memref<40x2048xf32, #tpu.memory_space<vmem>>, vector<1x2048xf32>,
    %jit3A_893 = arith.constant -3.000000e+38 : f32
    %broadcast_in_dim3A_894 = vector.broadcast %jit3A_893 : f32 to vector<1x2048xf32>
    %select_n3A_895 = arith.select %eq3A_887, %broadcast_in_dim3A_894, %select_n3A_874 : vector<1x2048xi1>, vector<1x2048xf32>
    %reduce_max3A_896 = arith.constant dense<0xFF800000> : vector<1xf32>
    %reduce_max3A_897 = vector.multi_reduction <maximumf>, %select_n3A_895, %reduce_max3A_896 [1] : vector<1x2048xf32> to vector<1xf32>
    %broadcast_in_dim3A_898 = vector.shape_cast %reduce_max3A_897 : vector<1xf32> to vector<1x1xf32>
    %ge3A_899 = vector.broadcast %broadcast_in_dim3A_898 : vector<1x1xf32> to vector<1x2048xf32>
    %ge3A_900 = arith.cmpf oge, %select_n3A_895, %ge3A_899 : vector<1x2048xf32>
    %jit3A_901 = arith.constant 2048 : i32
    %broadcast_in_dim3A_902 = vector.broadcast %jit3A_901 : i32 to vector<1x2048xi32>
    %select_n3A_903 = arith.select %ge3A_900, %iota3A, %broadcast_in_dim3A_902 : vector<1x2048xi1>, vector<1x2048xi32>
    %reduce_min3A_904 = arith.constant dense<2147483647> : vector<1xi32>
    %reduce_min3A_905 = vector.multi_reduction <minsi>, %select_n3A_903, %reduce_min3A_904 [1] : vector<1x2048xi32> to vector<1xi32>
    %broadcast_in_dim3A_906 = vector.shape_cast %reduce_min3A_905 : vector<1xi32> to vector<1x1xi32>
    %eq3A_907 = vector.broadcast %broadcast_in_dim3A_906 : vector<1x1xi32> to vector<1x2048xi32>
    %eq3A_908 = arith.cmpi eq, %iota3A, %eq3A_907 : vector<1x2048xi32>
    %convert_element_type3A_909 = arith.extui %eq3A_908 : vector<1x2048xi1> to vector<1x2048xi32>
    %convert_element_type3A_910 = arith.sitofp %convert_element_type3A_909 : vector<1x2048xi32> to vector<1x2048xf32>
    %swap3A_911 = arith.constant 38 : index
    %swap3A_912 = arith.constant 0 : index
    %swap3A_913 = vector.load %arg7[%swap3A_911, %swap3A_912] : memref<40x2048xf32, #tpu.memory_space<vmem>>, vector<1x2048xf32>
    tpu.vector_store %arg7[%swap3A_911, %swap3A_912], %convert_element_type3A_910 {strides = array<i32>} : memref<40x2048xf32, #tpu.memory_space<vmem>>, vector<1x2048xf32>,
    %jit3A_914 = arith.constant -3.000000e+38 : f32
    %broadcast_in_dim3A_915 = vector.broadcast %jit3A_914 : f32 to vector<1x2048xf32>
    %select_n3A_916 = arith.select %eq3A_908, %broadcast_in_dim3A_915, %select_n3A_895 : vector<1x2048xi1>, vector<1x2048xf32>
    %reduce_max3A_917 = arith.constant dense<0xFF800000> : vector<1xf32>
    %reduce_max3A_918 = vector.multi_reduction <maximumf>, %select_n3A_916, %reduce_max3A_917 [1] : vector<1x2048xf32> to vector<1xf32>
    %broadcast_in_dim3A_919 = vector.shape_cast %reduce_max3A_918 : vector<1xf32> to vector<1x1xf32>
    %ge3A_920 = vector.broadcast %broadcast_in_dim3A_919 : vector<1x1xf32> to vector<1x2048xf32>
    %ge3A_921 = arith.cmpf oge, %select_n3A_916, %ge3A_920 : vector<1x2048xf32>
    %jit3A_922 = arith.constant 2048 : i32
    %broadcast_in_dim3A_923 = vector.broadcast %jit3A_922 : i32 to vector<1x2048xi32>
    %select_n3A_924 = arith.select %ge3A_921, %iota3A, %broadcast_in_dim3A_923 : vector<1x2048xi1>, vector<1x2048xi32>
    %reduce_min3A_925 = arith.constant dense<2147483647> : vector<1xi32>
    %reduce_min3A_926 = vector.multi_reduction <minsi>, %select_n3A_924, %reduce_min3A_925 [1] : vector<1x2048xi32> to vector<1xi32>
    %broadcast_in_dim3A_927 = vector.shape_cast %reduce_min3A_926 : vector<1xi32> to vector<1x1xi32>
    %eq3A_928 = vector.broadcast %broadcast_in_dim3A_927 : vector<1x1xi32> to vector<1x2048xi32>
    %eq3A_929 = arith.cmpi eq, %iota3A, %eq3A_928 : vector<1x2048xi32>
    %convert_element_type3A_930 = arith.extui %eq3A_929 : vector<1x2048xi1> to vector<1x2048xi32>
    %convert_element_type3A_931 = arith.sitofp %convert_element_type3A_930 : vector<1x2048xi32> to vector<1x2048xf32>
    %swap3A_932 = arith.constant 39 : index
    %swap3A_933 = arith.constant 0 : index
    %swap3A_934 = vector.load %arg7[%swap3A_932, %swap3A_933] : memref<40x2048xf32, #tpu.memory_space<vmem>>, vector<1x2048xf32>
    tpu.vector_store %arg7[%swap3A_932, %swap3A_933], %convert_element_type3A_931 {strides = array<i32>} : memref<40x2048xf32, #tpu.memory_space<vmem>>, vector<1x2048xf32>,
    %get3A_935 = arith.constant 0 : index
    %get3A_936 = arith.constant 0 : index
    %get3A_937 = vector.load %arg7[%get3A_935, %get3A_936] : memref<40x2048xf32, #tpu.memory_space<vmem>>, vector<40x2048xf32>
    %dot_general3A_938 = arith.constant dense<0.000000e+00> : vector<40x64xf32>
    %dot_general3A_939 = tpu.matmul %get3A_937, %get3A_4, %dot_general3A_938 {dimension_numbers = #tpu.dot_dimension_numbers<[1], [0], [0], [1], [0, 0, 1, 1], [], []>, transpose_lhs_hint = false} : vector<40x2048xf32>, vector<2048x64xf32>, vector<40x64xf32> -> vector<40x64xf32>
    %dot_general3A_940 = arith.constant dense<0.000000e+00> : vector<40x2048xf32>
    %dot_general3A_941 = tpu.matmul %dot_general3A_939, %get3A_10, %dot_general3A_940 {dimension_numbers = #tpu.dot_dimension_numbers<[1], [1], [0], [0], [0, 0, 1, 0], [], []>, transpose_lhs_hint = false} : vector<40x64xf32>, vector<2048x64xf32>, vector<40x2048xf32> -> vector<40x2048xf32>
    %mul3A_942 = arith.constant 1.250000e-01 : f32
    %mul3A_943 = vector.broadcast %mul3A_942 : f32 to vector<40x2048xf32>
    %mul3A_944 = arith.mulf %dot_general3A_941, %mul3A_943 : vector<40x2048xf32>
    %reduce_max3A_945 = arith.constant dense<0xFF800000> : vector<40xf32>
    %reduce_max3A_946 = vector.multi_reduction <maximumf>, %mul3A_944, %reduce_max3A_945 [1] : vector<40x2048xf32> to vector<40xf32>
    %broadcast_in_dim3A_947 = vector.shape_cast %reduce_max3A_946 : vector<40xf32> to vector<40x1xf32>
    %sub3A_948 = vector.broadcast %broadcast_in_dim3A_947 : vector<40x1xf32> to vector<40x2048xf32>
    %sub3A_949 = arith.subf %mul3A_944, %sub3A_948 : vector<40x2048xf32>
    %exp3A = math.exp %sub3A_949 : vector<40x2048xf32>
    %reduce_sum3A_950 = arith.constant dense<0.000000e+00> : vector<40xf32>
    %reduce_sum3A_951 = vector.multi_reduction <add>, %exp3A, %reduce_sum3A_950 [1] : vector<40x2048xf32> to vector<40xf32>
    %broadcast_in_dim3A_952 = vector.shape_cast %reduce_sum3A_951 : vector<40xf32> to vector<40x1xf32>
    %div3A = vector.broadcast %broadcast_in_dim3A_952 : vector<40x1xf32> to vector<40x2048xf32>
    %div3A_953 = arith.divf %exp3A, %div3A : vector<40x2048xf32>
    %dot_general3A_954 = arith.constant dense<0.000000e+00> : vector<40x64xf32>
    %dot_general3A_955 = tpu.matmul %div3A_953, %get3A_16, %dot_general3A_954 {dimension_numbers = #tpu.dot_dimension_numbers<[1], [0], [0], [1], [0, 0, 1, 1], [], []>, transpose_lhs_hint = false} : vector<40x2048xf32>, vector<2048x64xf32>, vector<40x64xf32> -> vector<40x64xf32>
    %reduce_sum3A_956 = arith.constant dense<0.000000e+00> : vector<64xf32>
    %reduce_sum3A_957 = vector.multi_reduction <add>, %get3A_16, %reduce_sum3A_956 [0] : vector<2048x64xf32> to vector<64xf32>
    %broadcast_in_dim3A_958 = vector.shape_cast %reduce_sum3A_957 : vector<64xf32> to vector<1x64xf32>
    %mul3A_959 = arith.constant 4.8828125E-4 : f32
    %mul3A_960 = vector.broadcast %mul3A_959 : f32 to vector<1x64xf32>
    %mul3A_961 = arith.mulf %broadcast_in_dim3A_958, %mul3A_960 : vector<1x64xf32>
    %dot_general3A_962 = arith.constant dense<0.000000e+00> : vector<2048x64xf32>
    %dot_general3A_963 = tpu.matmul %get3A_937, %dot_general3A_955, %dot_general3A_962 {dimension_numbers = #tpu.dot_dimension_numbers<[0], [0], [1], [1], [0, 1, 1, 1], [], []>, transpose_lhs_hint = false} : vector<40x2048xf32>, vector<40x64xf32>, vector<2048x64xf32> -> vector<2048x64xf32>
    %broadcast_in_dim3A_964 = arith.constant 1.000000e+00 : f32
    %broadcast_in_dim3A_965 = vector.broadcast %broadcast_in_dim3A_964 : f32 to vector<40x64xf32>
    %dot_general3A_966 = arith.constant dense<0.000000e+00> : vector<2048x64xf32>
    %dot_general3A_967 = tpu.matmul %get3A_937, %broadcast_in_dim3A_965, %dot_general3A_966 {dimension_numbers = #tpu.dot_dimension_numbers<[0], [0], [1], [1], [0, 1, 1, 1], [], []>, transpose_lhs_hint = false} : vector<40x2048xf32>, vector<40x64xf32>, vector<2048x64xf32> -> vector<2048x64xf32>
    %sub3A_968 = arith.constant 1.000000e+00 : f32
    %sub3A_969 = vector.broadcast %sub3A_968 : f32 to vector<2048x64xf32>
    %sub3A_970 = arith.subf %sub3A_969, %dot_general3A_967 : vector<2048x64xf32>
    %mul3A_971 = vector.broadcast %mul3A_961 : vector<1x64xf32> to vector<2048x64xf32>
    %mul3A_972 = arith.mulf %mul3A_971, %sub3A_970 : vector<2048x64xf32>
    %add3A = arith.addf %dot_general3A_963, %mul3A_972 : vector<2048x64xf32>
    %swap3A_973 = arith.constant 0 : index
    %swap3A_974 = arith.constant 0 : index
    %swap3A_975 = arith.constant 0 : index
    %swap3A_976 = arith.constant 0 : index
    %swap3A_977 = vector.load %arg6[%swap3A_973, %swap3A_974, %swap3A_975, %swap3A_976] : memref<1x1x2048x64xf32, #tpu.memory_space<vmem>>, vector<1x1x2048x64xf32>
    %swap3A_978 = vector.shape_cast %swap3A_977 : vector<1x1x2048x64xf32> to vector<2048x64xf32>
    %swap3A_979 = vector.shape_cast %add3A : vector<2048x64xf32> to vector<1x1x2048x64xf32>
    tpu.vector_store %arg6[%swap3A_973, %swap3A_974, %swap3A_975, %swap3A_976], %swap3A_979 {strides = array<i32>} : memref<1x1x2048x64xf32, #tpu.memory_space<vmem>>, vector<1x1x2048x64xf32>,
    return
  }
  func.func @transform_0(%arg0: i32, %arg1: i32) -> (i32, i32, i32, i32) {
    %c0_i32 = arith.constant 0 : i32
    %c0_i32_0 = arith.constant 0 : i32
    %c0_i32_1 = arith.constant 0 : i32
    return %arg0, %arg1, %c0_i32, %c0_i32_0 : i32, i32, i32, i32
  }
  func.func @transform_1(%arg0: i32, %arg1: i32) -> (i32, i32, i32, i32) {
    %c0_i32 = arith.constant 0 : i32
    %c0_i32_0 = arith.constant 0 : i32
    %c0_i32_1 = arith.constant 0 : i32
    return %arg0, %arg1, %c0_i32, %c0_i32_0 : i32, i32, i32, i32
  }
  func.func @transform_2(%arg0: i32, %arg1: i32) -> (i32, i32, i32, i32) {
    %c0_i32 = arith.constant 0 : i32
    %c0_i32_0 = arith.constant 0 : i32
    %c0_i32_1 = arith.constant 0 : i32
    return %arg0, %arg1, %c0_i32, %c0_i32_0 : i32, i32, i32, i32
  }
  func.func @transform_3(%arg0: i32, %arg1: i32) -> (i32, i32) {
    %c0_i32 = arith.constant 0 : i32
    %c0_i32_0 = arith.constant 0 : i32
    %c0_i32_1 = arith.constant 0 : i32
    return %c0_i32, %c0_i32_0 : i32, i32
  }
  func.func @transform_4(%arg0: i32, %arg1: i32) -> (i32, i32, i32, i32) {
    %c0_i32 = arith.constant 0 : i32
    %c0_i32_0 = arith.constant 0 : i32
    %c0_i32_1 = arith.constant 0 : i32
    return %arg0, %arg1, %c0_i32, %c0_i32_0 : i32, i32, i32, i32
  }
}

module attributes {stable_mosaic.version = 14 : i64} {
  func.func @_proj_ln_kernel(%arg0: i32, %arg1: memref<512x768xf32, #tpu.memory_space<vmem>>, %arg2: memref<768x768xf32, #tpu.memory_space<vmem>>, %arg3: memref<1x768xf32, #tpu.memory_space<vmem>>, %arg4: memref<512x768xf32, #tpu.memory_space<vmem>>, %arg5: memref<1x768xf32, #tpu.memory_space<vmem>>, %arg6: memref<1x768xf32, #tpu.memory_space<vmem>>, %arg7: memref<512x768xf32, #tpu.memory_space<vmem>>) attributes {dimension_semantics = [#tpu.dimension_semantics<arbitrary>], iteration_bounds = array<i64: 8>, scalar_prefetch = 0 : i64, scratch_operands = 0 : i64, tpu.core_type = #tpu.core_type<tc>, window_params = [{transform_indices = @transform_0, window_bounds = array<i64: 512, 768>}, {pipeline_mode = #tpu.pipeline_mode<synchronous>, transform_indices = @transform_1, window_bounds = array<i64: 768, 768>}, {pipeline_mode = #tpu.pipeline_mode<synchronous>, transform_indices = @transform_2, window_bounds = array<i64: 1, 768>}, {transform_indices = @transform_3, window_bounds = array<i64: 512, 768>}, {pipeline_mode = #tpu.pipeline_mode<synchronous>, transform_indices = @transform_4, window_bounds = array<i64: 1, 768>}, {pipeline_mode = #tpu.pipeline_mode<synchronous>, transform_indices = @transform_5, window_bounds = array<i64: 1, 768>}, {transform_indices = @transform_6, window_bounds = array<i64: 512, 768>}]} {
    %get3A = arith.constant 0 : index
    %get3A_0 = arith.constant 0 : index
    %get3A_1 = vector.load %arg1[%get3A, %get3A_0] : memref<512x768xf32, #tpu.memory_space<vmem>>, vector<512x768xf32>
    %get3A_2 = arith.constant 0 : index
    %get3A_3 = arith.constant 0 : index
    %get3A_4 = vector.load %arg2[%get3A_2, %get3A_3] : memref<768x768xf32, #tpu.memory_space<vmem>>, vector<768x768xf32>
    %dot_general3A = arith.constant dense<0.000000e+00> : vector<512x768xf32>
    %dot_general3A_5 = tpu.matmul %get3A_1, %get3A_4, %dot_general3A {dimension_numbers = #tpu.dot_dimension_numbers<[1], [0], [0], [1], [0, 0, 1, 1], [], []>, transpose_lhs_hint = false} : vector<512x768xf32>, vector<768x768xf32>, vector<512x768xf32> -> vector<512x768xf32>
    %get3A_6 = arith.constant 0 : index
    %get3A_7 = arith.constant 0 : index
    %get3A_8 = vector.load %arg3[%get3A_6, %get3A_7] : memref<1x768xf32, #tpu.memory_space<vmem>>, vector<1x768xf32>
    %add3A = vector.broadcast %get3A_8 : vector<1x768xf32> to vector<512x768xf32>
    %add3A_9 = arith.addf %dot_general3A_5, %add3A : vector<512x768xf32>
    %get3A_10 = arith.constant 0 : index
    %get3A_11 = arith.constant 0 : index
    %get3A_12 = vector.load %arg4[%get3A_10, %get3A_11] : memref<512x768xf32, #tpu.memory_space<vmem>>, vector<512x768xf32>
    %add3A_13 = arith.addf %get3A_12, %add3A_9 : vector<512x768xf32>
    %get3A_14 = arith.constant 0 : index
    %get3A_15 = arith.constant 0 : index
    %get3A_16 = vector.load %arg5[%get3A_14, %get3A_15] : memref<1x768xf32, #tpu.memory_space<vmem>>, vector<1x768xf32>
    %get3A_17 = arith.constant 0 : index
    %get3A_18 = arith.constant 0 : index
    %get3A_19 = vector.load %arg6[%get3A_17, %get3A_18] : memref<1x768xf32, #tpu.memory_space<vmem>>, vector<1x768xf32>
    %reduce_sum3A = arith.constant dense<0.000000e+00> : vector<512xf32>
    %reduce_sum3A_20 = vector.multi_reduction <add>, %add3A_13, %reduce_sum3A [1] : vector<512x768xf32> to vector<512xf32>
    %broadcast_in_dim3A = vector.shape_cast %reduce_sum3A_20 : vector<512xf32> to vector<512x1xf32>
    %div3A = arith.constant 7.680000e+02 : f32
    %div3A_21 = vector.broadcast %div3A : f32 to vector<512x1xf32>
    %div3A_22 = arith.divf %broadcast_in_dim3A, %div3A_21 : vector<512x1xf32>
    %sub3A = vector.broadcast %div3A_22 : vector<512x1xf32> to vector<512x768xf32>
    %sub3A_23 = arith.subf %add3A_13, %sub3A : vector<512x768xf32>
    %mul3A = arith.mulf %sub3A_23, %sub3A_23 : vector<512x768xf32>
    %reduce_sum3A_24 = arith.constant dense<0.000000e+00> : vector<512xf32>
    %reduce_sum3A_25 = vector.multi_reduction <add>, %mul3A, %reduce_sum3A_24 [1] : vector<512x768xf32> to vector<512xf32>
    %broadcast_in_dim3A_26 = vector.shape_cast %reduce_sum3A_25 : vector<512xf32> to vector<512x1xf32>
    %div3A_27 = arith.constant 7.680000e+02 : f32
    %div3A_28 = vector.broadcast %div3A_27 : f32 to vector<512x1xf32>
    %div3A_29 = arith.divf %broadcast_in_dim3A_26, %div3A_28 : vector<512x1xf32>
    %add3A_30 = arith.constant 9.99999974E-6 : f32
    %add3A_31 = vector.broadcast %add3A_30 : f32 to vector<512x1xf32>
    %add3A_32 = arith.addf %div3A_29, %add3A_31 : vector<512x1xf32>
    %rsqrt3A = math.rsqrt %add3A_32 : vector<512x1xf32>
    %mul3A_33 = vector.broadcast %rsqrt3A : vector<512x1xf32> to vector<512x768xf32>
    %mul3A_34 = arith.mulf %sub3A_23, %mul3A_33 : vector<512x768xf32>
    %mul3A_35 = vector.broadcast %get3A_16 : vector<1x768xf32> to vector<512x768xf32>
    %mul3A_36 = arith.mulf %mul3A_34, %mul3A_35 : vector<512x768xf32>
    %add3A_37 = vector.broadcast %get3A_19 : vector<1x768xf32> to vector<512x768xf32>
    %add3A_38 = arith.addf %mul3A_36, %add3A_37 : vector<512x768xf32>
    %swap3A = arith.constant 0 : index
    %swap3A_39 = arith.constant 0 : index
    %swap3A_40 = vector.load %arg7[%swap3A, %swap3A_39] : memref<512x768xf32, #tpu.memory_space<vmem>>, vector<512x768xf32>
    tpu.vector_store %arg7[%swap3A, %swap3A_39], %add3A_38 {strides = array<i32>} : memref<512x768xf32, #tpu.memory_space<vmem>>, vector<512x768xf32>,
    return
  }
  func.func @transform_0(%arg0: i32) -> (i32, i32) {
    %c0_i32 = arith.constant 0 : i32
    %c0_i32_0 = arith.constant 0 : i32
    return %arg0, %c0_i32 : i32, i32
  }
  func.func @transform_1(%arg0: i32) -> (i32, i32) {
    %c0_i32 = arith.constant 0 : i32
    %c0_i32_0 = arith.constant 0 : i32
    %c0_i32_1 = arith.constant 0 : i32
    return %c0_i32, %c0_i32_0 : i32, i32
  }
  func.func @transform_2(%arg0: i32) -> (i32, i32) {
    %c0_i32 = arith.constant 0 : i32
    %c0_i32_0 = arith.constant 0 : i32
    %c0_i32_1 = arith.constant 0 : i32
    return %c0_i32, %c0_i32_0 : i32, i32
  }
  func.func @transform_3(%arg0: i32) -> (i32, i32) {
    %c0_i32 = arith.constant 0 : i32
    %c0_i32_0 = arith.constant 0 : i32
    return %arg0, %c0_i32 : i32, i32
  }
  func.func @transform_4(%arg0: i32) -> (i32, i32) {
    %c0_i32 = arith.constant 0 : i32
    %c0_i32_0 = arith.constant 0 : i32
    %c0_i32_1 = arith.constant 0 : i32
    return %c0_i32, %c0_i32_0 : i32, i32
  }
  func.func @transform_5(%arg0: i32) -> (i32, i32) {
    %c0_i32 = arith.constant 0 : i32
    %c0_i32_0 = arith.constant 0 : i32
    %c0_i32_1 = arith.constant 0 : i32
    return %c0_i32, %c0_i32_0 : i32, i32
  }
  func.func @transform_6(%arg0: i32) -> (i32, i32) {
    %c0_i32 = arith.constant 0 : i32
    %c0_i32_0 = arith.constant 0 : i32
    return %arg0, %c0_i32 : i32, i32
  }
}

module attributes {stable_mosaic.version = 14 : i64} {
  func.func @_ffn_kernel(%arg0: i32, %arg1: memref<256x768xf32, #tpu.memory_space<vmem>>, %arg2: memref<768x3072xf32, #tpu.memory_space<vmem>>, %arg3: memref<1x3072xf32, #tpu.memory_space<vmem>>, %arg4: memref<3072x768xf32, #tpu.memory_space<vmem>>, %arg5: memref<1x768xf32, #tpu.memory_space<vmem>>, %arg6: memref<1x768xf32, #tpu.memory_space<vmem>>, %arg7: memref<1x768xf32, #tpu.memory_space<vmem>>, %arg8: memref<1x768xf32, #tpu.memory_space<vmem>>, %arg9: memref<1x768xf32, #tpu.memory_space<vmem>>, %arg10: memref<256x768xf32, #tpu.memory_space<vmem>>) attributes {dimension_semantics = [#tpu.dimension_semantics<arbitrary>], iteration_bounds = array<i64: 16>, scalar_prefetch = 0 : i64, scratch_operands = 0 : i64, tpu.core_type = #tpu.core_type<tc>, window_params = [{transform_indices = @transform_0, window_bounds = array<i64: 256, 768>}, {pipeline_mode = #tpu.pipeline_mode<synchronous>, transform_indices = @transform_1, window_bounds = array<i64: 768, 3072>}, {pipeline_mode = #tpu.pipeline_mode<synchronous>, transform_indices = @transform_2, window_bounds = array<i64: 1, 3072>}, {pipeline_mode = #tpu.pipeline_mode<synchronous>, transform_indices = @transform_3, window_bounds = array<i64: 3072, 768>}, {pipeline_mode = #tpu.pipeline_mode<synchronous>, transform_indices = @transform_4, window_bounds = array<i64: 1, 768>}, {pipeline_mode = #tpu.pipeline_mode<synchronous>, transform_indices = @transform_5, window_bounds = array<i64: 1, 768>}, {pipeline_mode = #tpu.pipeline_mode<synchronous>, transform_indices = @transform_6, window_bounds = array<i64: 1, 768>}, {pipeline_mode = #tpu.pipeline_mode<synchronous>, transform_indices = @transform_7, window_bounds = array<i64: 1, 768>}, {pipeline_mode = #tpu.pipeline_mode<synchronous>, transform_indices = @transform_8, window_bounds = array<i64: 1, 768>}, {transform_indices = @transform_9, window_bounds = array<i64: 256, 768>}]} {
    %get3A = arith.constant 0 : index
    %get3A_0 = arith.constant 0 : index
    %get3A_1 = vector.load %arg1[%get3A, %get3A_0] : memref<256x768xf32, #tpu.memory_space<vmem>>, vector<256x768xf32>
    %get3A_2 = arith.constant 0 : index
    %get3A_3 = arith.constant 0 : index
    %get3A_4 = vector.load %arg2[%get3A_2, %get3A_3] : memref<768x3072xf32, #tpu.memory_space<vmem>>, vector<768x3072xf32>
    %dot_general3A = arith.constant dense<0.000000e+00> : vector<256x3072xf32>
    %dot_general3A_5 = tpu.matmul %get3A_1, %get3A_4, %dot_general3A {dimension_numbers = #tpu.dot_dimension_numbers<[1], [0], [0], [1], [0, 0, 1, 1], [], []>, transpose_lhs_hint = false} : vector<256x768xf32>, vector<768x3072xf32>, vector<256x3072xf32> -> vector<256x3072xf32>
    %get3A_6 = arith.constant 0 : index
    %get3A_7 = arith.constant 0 : index
    %get3A_8 = vector.load %arg3[%get3A_6, %get3A_7] : memref<1x3072xf32, #tpu.memory_space<vmem>>, vector<1x3072xf32>
    %add3A = vector.broadcast %get3A_8 : vector<1x3072xf32> to vector<256x3072xf32>
    %add3A_9 = arith.addf %dot_general3A_5, %add3A : vector<256x3072xf32>
    %max3A = arith.constant 0.000000e+00 : f32
    %max3A_10 = vector.broadcast %max3A : f32 to vector<256x3072xf32>
    %max3A_11 = arith.maximumf %add3A_9, %max3A_10 : vector<256x3072xf32>
    %get3A_12 = arith.constant 0 : index
    %get3A_13 = arith.constant 0 : index
    %get3A_14 = vector.load %arg4[%get3A_12, %get3A_13] : memref<3072x768xf32, #tpu.memory_space<vmem>>, vector<3072x768xf32>
    %dot_general3A_15 = arith.constant dense<0.000000e+00> : vector<256x768xf32>
    %dot_general3A_16 = tpu.matmul %max3A_11, %get3A_14, %dot_general3A_15 {dimension_numbers = #tpu.dot_dimension_numbers<[1], [0], [0], [1], [0, 0, 1, 1], [], []>, transpose_lhs_hint = false} : vector<256x3072xf32>, vector<3072x768xf32>, vector<256x768xf32> -> vector<256x768xf32>
    %get3A_17 = arith.constant 0 : index
    %get3A_18 = arith.constant 0 : index
    %get3A_19 = vector.load %arg5[%get3A_17, %get3A_18] : memref<1x768xf32, #tpu.memory_space<vmem>>, vector<1x768xf32>
    %add3A_20 = vector.broadcast %get3A_19 : vector<1x768xf32> to vector<256x768xf32>
    %add3A_21 = arith.addf %dot_general3A_16, %add3A_20 : vector<256x768xf32>
    %add3A_22 = arith.addf %get3A_1, %add3A_21 : vector<256x768xf32>
    %get3A_23 = arith.constant 0 : index
    %get3A_24 = arith.constant 0 : index
    %get3A_25 = vector.load %arg6[%get3A_23, %get3A_24] : memref<1x768xf32, #tpu.memory_space<vmem>>, vector<1x768xf32>
    %get3A_26 = arith.constant 0 : index
    %get3A_27 = arith.constant 0 : index
    %get3A_28 = vector.load %arg7[%get3A_26, %get3A_27] : memref<1x768xf32, #tpu.memory_space<vmem>>, vector<1x768xf32>
    %reduce_sum3A = arith.constant dense<0.000000e+00> : vector<256xf32>
    %reduce_sum3A_29 = vector.multi_reduction <add>, %add3A_22, %reduce_sum3A [1] : vector<256x768xf32> to vector<256xf32>
    %broadcast_in_dim3A = vector.shape_cast %reduce_sum3A_29 : vector<256xf32> to vector<256x1xf32>
    %div3A = arith.constant 7.680000e+02 : f32
    %div3A_30 = vector.broadcast %div3A : f32 to vector<256x1xf32>
    %div3A_31 = arith.divf %broadcast_in_dim3A, %div3A_30 : vector<256x1xf32>
    %sub3A = vector.broadcast %div3A_31 : vector<256x1xf32> to vector<256x768xf32>
    %sub3A_32 = arith.subf %add3A_22, %sub3A : vector<256x768xf32>
    %mul3A = arith.mulf %sub3A_32, %sub3A_32 : vector<256x768xf32>
    %reduce_sum3A_33 = arith.constant dense<0.000000e+00> : vector<256xf32>
    %reduce_sum3A_34 = vector.multi_reduction <add>, %mul3A, %reduce_sum3A_33 [1] : vector<256x768xf32> to vector<256xf32>
    %broadcast_in_dim3A_35 = vector.shape_cast %reduce_sum3A_34 : vector<256xf32> to vector<256x1xf32>
    %div3A_36 = arith.constant 7.680000e+02 : f32
    %div3A_37 = vector.broadcast %div3A_36 : f32 to vector<256x1xf32>
    %div3A_38 = arith.divf %broadcast_in_dim3A_35, %div3A_37 : vector<256x1xf32>
    %add3A_39 = arith.constant 9.99999974E-6 : f32
    %add3A_40 = vector.broadcast %add3A_39 : f32 to vector<256x1xf32>
    %add3A_41 = arith.addf %div3A_38, %add3A_40 : vector<256x1xf32>
    %rsqrt3A = math.rsqrt %add3A_41 : vector<256x1xf32>
    %mul3A_42 = vector.broadcast %rsqrt3A : vector<256x1xf32> to vector<256x768xf32>
    %mul3A_43 = arith.mulf %sub3A_32, %mul3A_42 : vector<256x768xf32>
    %mul3A_44 = vector.broadcast %get3A_25 : vector<1x768xf32> to vector<256x768xf32>
    %mul3A_45 = arith.mulf %mul3A_43, %mul3A_44 : vector<256x768xf32>
    %add3A_46 = vector.broadcast %get3A_28 : vector<1x768xf32> to vector<256x768xf32>
    %add3A_47 = arith.addf %mul3A_45, %add3A_46 : vector<256x768xf32>
    %swap3A = arith.constant 0 : index
    %swap3A_48 = arith.constant 0 : index
    %swap3A_49 = vector.load %arg10[%swap3A, %swap3A_48] : memref<256x768xf32, #tpu.memory_space<vmem>>, vector<256x768xf32>
    tpu.vector_store %arg10[%swap3A, %swap3A_48], %add3A_47 {strides = array<i32>} : memref<256x768xf32, #tpu.memory_space<vmem>>, vector<256x768xf32>,
    return
  }
  func.func @transform_0(%arg0: i32) -> (i32, i32) {
    %c0_i32 = arith.constant 0 : i32
    %c0_i32_0 = arith.constant 0 : i32
    return %arg0, %c0_i32 : i32, i32
  }
  func.func @transform_1(%arg0: i32) -> (i32, i32) {
    %c0_i32 = arith.constant 0 : i32
    %c0_i32_0 = arith.constant 0 : i32
    %c0_i32_1 = arith.constant 0 : i32
    return %c0_i32, %c0_i32_0 : i32, i32
  }
  func.func @transform_2(%arg0: i32) -> (i32, i32) {
    %c0_i32 = arith.constant 0 : i32
    %c0_i32_0 = arith.constant 0 : i32
    %c0_i32_1 = arith.constant 0 : i32
    return %c0_i32, %c0_i32_0 : i32, i32
  }
  func.func @transform_3(%arg0: i32) -> (i32, i32) {
    %c0_i32 = arith.constant 0 : i32
    %c0_i32_0 = arith.constant 0 : i32
    %c0_i32_1 = arith.constant 0 : i32
    return %c0_i32, %c0_i32_0 : i32, i32
  }
  func.func @transform_4(%arg0: i32) -> (i32, i32) {
    %c0_i32 = arith.constant 0 : i32
    %c0_i32_0 = arith.constant 0 : i32
    %c0_i32_1 = arith.constant 0 : i32
    return %c0_i32, %c0_i32_0 : i32, i32
  }
  func.func @transform_5(%arg0: i32) -> (i32, i32) {
    %c0_i32 = arith.constant 0 : i32
    %c0_i32_0 = arith.constant 0 : i32
    %c0_i32_1 = arith.constant 0 : i32
    return %c0_i32, %c0_i32_0 : i32, i32
  }
  func.func @transform_6(%arg0: i32) -> (i32, i32) {
    %c0_i32 = arith.constant 0 : i32
    %c0_i32_0 = arith.constant 0 : i32
    %c0_i32_1 = arith.constant 0 : i32
    return %c0_i32, %c0_i32_0 : i32, i32
  }
  func.func @transform_7(%arg0: i32) -> (i32, i32) {
    %c0_i32 = arith.constant 0 : i32
    %c0_i32_0 = arith.constant 0 : i32
    %c0_i32_1 = arith.constant 0 : i32
    return %c0_i32, %c0_i32_0 : i32, i32
  }
  func.func @transform_8(%arg0: i32) -> (i32, i32) {
    %c0_i32 = arith.constant 0 : i32
    %c0_i32_0 = arith.constant 0 : i32
    %c0_i32_1 = arith.constant 0 : i32
    return %c0_i32, %c0_i32_0 : i32, i32
  }
  func.func @transform_9(%arg0: i32) -> (i32, i32) {
    %c0_i32 = arith.constant 0 : i32
    %c0_i32_0 = arith.constant 0 : i32
    return %arg0, %c0_i32 : i32, i32
  }
}

module attributes {stable_mosaic.version = 14 : i64} {
  func.func @_ffn_kernel(%arg0: i32, %arg1: memref<256x768xf32, #tpu.memory_space<vmem>>, %arg2: memref<768x3072xf32, #tpu.memory_space<vmem>>, %arg3: memref<1x3072xf32, #tpu.memory_space<vmem>>, %arg4: memref<3072x768xf32, #tpu.memory_space<vmem>>, %arg5: memref<1x768xf32, #tpu.memory_space<vmem>>, %arg6: memref<1x768xf32, #tpu.memory_space<vmem>>, %arg7: memref<1x768xf32, #tpu.memory_space<vmem>>, %arg8: memref<1x768xf32, #tpu.memory_space<vmem>>, %arg9: memref<1x768xf32, #tpu.memory_space<vmem>>, %arg10: memref<256x768xf32, #tpu.memory_space<vmem>>) attributes {dimension_semantics = [#tpu.dimension_semantics<arbitrary>], iteration_bounds = array<i64: 16>, scalar_prefetch = 0 : i64, scratch_operands = 0 : i64, tpu.core_type = #tpu.core_type<tc>, window_params = [{transform_indices = @transform_0, window_bounds = array<i64: 256, 768>}, {pipeline_mode = #tpu.pipeline_mode<synchronous>, transform_indices = @transform_1, window_bounds = array<i64: 768, 3072>}, {pipeline_mode = #tpu.pipeline_mode<synchronous>, transform_indices = @transform_2, window_bounds = array<i64: 1, 3072>}, {pipeline_mode = #tpu.pipeline_mode<synchronous>, transform_indices = @transform_3, window_bounds = array<i64: 3072, 768>}, {pipeline_mode = #tpu.pipeline_mode<synchronous>, transform_indices = @transform_4, window_bounds = array<i64: 1, 768>}, {pipeline_mode = #tpu.pipeline_mode<synchronous>, transform_indices = @transform_5, window_bounds = array<i64: 1, 768>}, {pipeline_mode = #tpu.pipeline_mode<synchronous>, transform_indices = @transform_6, window_bounds = array<i64: 1, 768>}, {pipeline_mode = #tpu.pipeline_mode<synchronous>, transform_indices = @transform_7, window_bounds = array<i64: 1, 768>}, {pipeline_mode = #tpu.pipeline_mode<synchronous>, transform_indices = @transform_8, window_bounds = array<i64: 1, 768>}, {transform_indices = @transform_9, window_bounds = array<i64: 256, 768>}]} {
    %get3A = arith.constant 0 : index
    %get3A_0 = arith.constant 0 : index
    %get3A_1 = vector.load %arg1[%get3A, %get3A_0] : memref<256x768xf32, #tpu.memory_space<vmem>>, vector<256x768xf32>
    %get3A_2 = arith.constant 0 : index
    %get3A_3 = arith.constant 0 : index
    %get3A_4 = vector.load %arg2[%get3A_2, %get3A_3] : memref<768x3072xf32, #tpu.memory_space<vmem>>, vector<768x3072xf32>
    %dot_general3A = arith.constant dense<0.000000e+00> : vector<256x3072xf32>
    %dot_general3A_5 = tpu.matmul %get3A_1, %get3A_4, %dot_general3A {dimension_numbers = #tpu.dot_dimension_numbers<[1], [0], [0], [1], [0, 0, 1, 1], [], []>, transpose_lhs_hint = false} : vector<256x768xf32>, vector<768x3072xf32>, vector<256x3072xf32> -> vector<256x3072xf32>
    %get3A_6 = arith.constant 0 : index
    %get3A_7 = arith.constant 0 : index
    %get3A_8 = vector.load %arg3[%get3A_6, %get3A_7] : memref<1x3072xf32, #tpu.memory_space<vmem>>, vector<1x3072xf32>
    %add3A = vector.broadcast %get3A_8 : vector<1x3072xf32> to vector<256x3072xf32>
    %add3A_9 = arith.addf %dot_general3A_5, %add3A : vector<256x3072xf32>
    %max3A = arith.constant 0.000000e+00 : f32
    %max3A_10 = vector.broadcast %max3A : f32 to vector<256x3072xf32>
    %max3A_11 = arith.maximumf %add3A_9, %max3A_10 : vector<256x3072xf32>
    %get3A_12 = arith.constant 0 : index
    %get3A_13 = arith.constant 0 : index
    %get3A_14 = vector.load %arg4[%get3A_12, %get3A_13] : memref<3072x768xf32, #tpu.memory_space<vmem>>, vector<3072x768xf32>
    %dot_general3A_15 = arith.constant dense<0.000000e+00> : vector<256x768xf32>
    %dot_general3A_16 = tpu.matmul %max3A_11, %get3A_14, %dot_general3A_15 {dimension_numbers = #tpu.dot_dimension_numbers<[1], [0], [0], [1], [0, 0, 1, 1], [], []>, transpose_lhs_hint = false} : vector<256x3072xf32>, vector<3072x768xf32>, vector<256x768xf32> -> vector<256x768xf32>
    %get3A_17 = arith.constant 0 : index
    %get3A_18 = arith.constant 0 : index
    %get3A_19 = vector.load %arg5[%get3A_17, %get3A_18] : memref<1x768xf32, #tpu.memory_space<vmem>>, vector<1x768xf32>
    %add3A_20 = vector.broadcast %get3A_19 : vector<1x768xf32> to vector<256x768xf32>
    %add3A_21 = arith.addf %dot_general3A_16, %add3A_20 : vector<256x768xf32>
    %add3A_22 = arith.addf %get3A_1, %add3A_21 : vector<256x768xf32>
    %get3A_23 = arith.constant 0 : index
    %get3A_24 = arith.constant 0 : index
    %get3A_25 = vector.load %arg6[%get3A_23, %get3A_24] : memref<1x768xf32, #tpu.memory_space<vmem>>, vector<1x768xf32>
    %get3A_26 = arith.constant 0 : index
    %get3A_27 = arith.constant 0 : index
    %get3A_28 = vector.load %arg7[%get3A_26, %get3A_27] : memref<1x768xf32, #tpu.memory_space<vmem>>, vector<1x768xf32>
    %reduce_sum3A = arith.constant dense<0.000000e+00> : vector<256xf32>
    %reduce_sum3A_29 = vector.multi_reduction <add>, %add3A_22, %reduce_sum3A [1] : vector<256x768xf32> to vector<256xf32>
    %broadcast_in_dim3A = vector.shape_cast %reduce_sum3A_29 : vector<256xf32> to vector<256x1xf32>
    %div3A = arith.constant 7.680000e+02 : f32
    %div3A_30 = vector.broadcast %div3A : f32 to vector<256x1xf32>
    %div3A_31 = arith.divf %broadcast_in_dim3A, %div3A_30 : vector<256x1xf32>
    %sub3A = vector.broadcast %div3A_31 : vector<256x1xf32> to vector<256x768xf32>
    %sub3A_32 = arith.subf %add3A_22, %sub3A : vector<256x768xf32>
    %mul3A = arith.mulf %sub3A_32, %sub3A_32 : vector<256x768xf32>
    %reduce_sum3A_33 = arith.constant dense<0.000000e+00> : vector<256xf32>
    %reduce_sum3A_34 = vector.multi_reduction <add>, %mul3A, %reduce_sum3A_33 [1] : vector<256x768xf32> to vector<256xf32>
    %broadcast_in_dim3A_35 = vector.shape_cast %reduce_sum3A_34 : vector<256xf32> to vector<256x1xf32>
    %div3A_36 = arith.constant 7.680000e+02 : f32
    %div3A_37 = vector.broadcast %div3A_36 : f32 to vector<256x1xf32>
    %div3A_38 = arith.divf %broadcast_in_dim3A_35, %div3A_37 : vector<256x1xf32>
    %add3A_39 = arith.constant 9.99999974E-6 : f32
    %add3A_40 = vector.broadcast %add3A_39 : f32 to vector<256x1xf32>
    %add3A_41 = arith.addf %div3A_38, %add3A_40 : vector<256x1xf32>
    %rsqrt3A = math.rsqrt %add3A_41 : vector<256x1xf32>
    %mul3A_42 = vector.broadcast %rsqrt3A : vector<256x1xf32> to vector<256x768xf32>
    %mul3A_43 = arith.mulf %sub3A_32, %mul3A_42 : vector<256x768xf32>
    %mul3A_44 = vector.broadcast %get3A_25 : vector<1x768xf32> to vector<256x768xf32>
    %mul3A_45 = arith.mulf %mul3A_43, %mul3A_44 : vector<256x768xf32>
    %add3A_46 = vector.broadcast %get3A_28 : vector<1x768xf32> to vector<256x768xf32>
    %add3A_47 = arith.addf %mul3A_45, %add3A_46 : vector<256x768xf32>
    %get3A_48 = arith.constant 0 : index
    %get3A_49 = arith.constant 0 : index
    %get3A_50 = vector.load %arg8[%get3A_48, %get3A_49] : memref<1x768xf32, #tpu.memory_space<vmem>>, vector<1x768xf32>
    %get3A_51 = arith.constant 0 : index
    %get3A_52 = arith.constant 0 : index
    %get3A_53 = vector.load %arg9[%get3A_51, %get3A_52] : memref<1x768xf32, #tpu.memory_space<vmem>>, vector<1x768xf32>
    %reduce_sum3A_54 = arith.constant dense<0.000000e+00> : vector<256xf32>
    %reduce_sum3A_55 = vector.multi_reduction <add>, %add3A_47, %reduce_sum3A_54 [1] : vector<256x768xf32> to vector<256xf32>
    %broadcast_in_dim3A_56 = vector.shape_cast %reduce_sum3A_55 : vector<256xf32> to vector<256x1xf32>
    %div3A_57 = arith.constant 7.680000e+02 : f32
    %div3A_58 = vector.broadcast %div3A_57 : f32 to vector<256x1xf32>
    %div3A_59 = arith.divf %broadcast_in_dim3A_56, %div3A_58 : vector<256x1xf32>
    %sub3A_60 = vector.broadcast %div3A_59 : vector<256x1xf32> to vector<256x768xf32>
    %sub3A_61 = arith.subf %add3A_47, %sub3A_60 : vector<256x768xf32>
    %mul3A_62 = arith.mulf %sub3A_61, %sub3A_61 : vector<256x768xf32>
    %reduce_sum3A_63 = arith.constant dense<0.000000e+00> : vector<256xf32>
    %reduce_sum3A_64 = vector.multi_reduction <add>, %mul3A_62, %reduce_sum3A_63 [1] : vector<256x768xf32> to vector<256xf32>
    %broadcast_in_dim3A_65 = vector.shape_cast %reduce_sum3A_64 : vector<256xf32> to vector<256x1xf32>
    %div3A_66 = arith.constant 7.680000e+02 : f32
    %div3A_67 = vector.broadcast %div3A_66 : f32 to vector<256x1xf32>
    %div3A_68 = arith.divf %broadcast_in_dim3A_65, %div3A_67 : vector<256x1xf32>
    %add3A_69 = arith.constant 9.99999974E-6 : f32
    %add3A_70 = vector.broadcast %add3A_69 : f32 to vector<256x1xf32>
    %add3A_71 = arith.addf %div3A_68, %add3A_70 : vector<256x1xf32>
    %rsqrt3A_72 = math.rsqrt %add3A_71 : vector<256x1xf32>
    %mul3A_73 = vector.broadcast %rsqrt3A_72 : vector<256x1xf32> to vector<256x768xf32>
    %mul3A_74 = arith.mulf %sub3A_61, %mul3A_73 : vector<256x768xf32>
    %mul3A_75 = vector.broadcast %get3A_50 : vector<1x768xf32> to vector<256x768xf32>
    %mul3A_76 = arith.mulf %mul3A_74, %mul3A_75 : vector<256x768xf32>
    %add3A_77 = vector.broadcast %get3A_53 : vector<1x768xf32> to vector<256x768xf32>
    %add3A_78 = arith.addf %mul3A_76, %add3A_77 : vector<256x768xf32>
    %swap3A = arith.constant 0 : index
    %swap3A_79 = arith.constant 0 : index
    %swap3A_80 = vector.load %arg10[%swap3A, %swap3A_79] : memref<256x768xf32, #tpu.memory_space<vmem>>, vector<256x768xf32>
    tpu.vector_store %arg10[%swap3A, %swap3A_79], %add3A_78 {strides = array<i32>} : memref<256x768xf32, #tpu.memory_space<vmem>>, vector<256x768xf32>,
    return
  }
  func.func @transform_0(%arg0: i32) -> (i32, i32) {
    %c0_i32 = arith.constant 0 : i32
    %c0_i32_0 = arith.constant 0 : i32
    return %arg0, %c0_i32 : i32, i32
  }
  func.func @transform_1(%arg0: i32) -> (i32, i32) {
    %c0_i32 = arith.constant 0 : i32
    %c0_i32_0 = arith.constant 0 : i32
    %c0_i32_1 = arith.constant 0 : i32
    return %c0_i32, %c0_i32_0 : i32, i32
  }
  func.func @transform_2(%arg0: i32) -> (i32, i32) {
    %c0_i32 = arith.constant 0 : i32
    %c0_i32_0 = arith.constant 0 : i32
    %c0_i32_1 = arith.constant 0 : i32
    return %c0_i32, %c0_i32_0 : i32, i32
  }
  func.func @transform_3(%arg0: i32) -> (i32, i32) {
    %c0_i32 = arith.constant 0 : i32
    %c0_i32_0 = arith.constant 0 : i32
    %c0_i32_1 = arith.constant 0 : i32
    return %c0_i32, %c0_i32_0 : i32, i32
  }
  func.func @transform_4(%arg0: i32) -> (i32, i32) {
    %c0_i32 = arith.constant 0 : i32
    %c0_i32_0 = arith.constant 0 : i32
    %c0_i32_1 = arith.constant 0 : i32
    return %c0_i32, %c0_i32_0 : i32, i32
  }
  func.func @transform_5(%arg0: i32) -> (i32, i32) {
    %c0_i32 = arith.constant 0 : i32
    %c0_i32_0 = arith.constant 0 : i32
    %c0_i32_1 = arith.constant 0 : i32
    return %c0_i32, %c0_i32_0 : i32, i32
  }
  func.func @transform_6(%arg0: i32) -> (i32, i32) {
    %c0_i32 = arith.constant 0 : i32
    %c0_i32_0 = arith.constant 0 : i32
    %c0_i32_1 = arith.constant 0 : i32
    return %c0_i32, %c0_i32_0 : i32, i32
  }
  func.func @transform_7(%arg0: i32) -> (i32, i32) {
    %c0_i32 = arith.constant 0 : i32
    %c0_i32_0 = arith.constant 0 : i32
    %c0_i32_1 = arith.constant 0 : i32
    return %c0_i32, %c0_i32_0 : i32, i32
  }
  func.func @transform_8(%arg0: i32) -> (i32, i32) {
    %c0_i32 = arith.constant 0 : i32
    %c0_i32_0 = arith.constant 0 : i32
    %c0_i32_1 = arith.constant 0 : i32
    return %c0_i32, %c0_i32_0 : i32, i32
  }
  func.func @transform_9(%arg0: i32) -> (i32, i32) {
    %c0_i32 = arith.constant 0 : i32
    %c0_i32_0 = arith.constant 0 : i32
    return %arg0, %c0_i32 : i32, i32
  }
}

</mosaic_0001>

<sc_bundles>
// kernel: sparse-core-data-format-call.1.cloned.1.call-start
scs
called_computation.1_lowered:
.L_overlay_start_0:
0x0: {  	s1 =	sld [smem:$0x3FD9]  }
0x1: {  	s2 =	sld [smem:$0x3FFE];
	_ =	sdelay $0x1  }
0x2: {  	s3 =	srdreg.scid  }
0x3: {  	s0 =	sand.u32 $0x1, s3  }
0x4: {  	s17 =	sshll.u32 s0, $0xA;
	s1 =	sadd.s32 s2, s1  }
0x5: {  	s1 =	sadd.s32 s1, s17  }
0x6: {  	[smem:$0x3FB3] =	sst s1  }
0x7: {  	_ = 	snop  }
0x8: {  	(tm) =	ssettm $0x1  }
0x9: {  	s18 =	sld [smem:$0x3FFB];
	_ =	sdelay $0x3  }
0xa: {  	_ =	strace s18  }
0xb: {  	s1 =	sld [smem:$0x3FFC];
	_ =	sdelay $0x3  }
0xc: {  	_ =	strace s1  }
0xd: {  	s1 =	sld [smem:$0x3FFD];
	_ =	sdelay $0x3  }
0xe: {  	_ =	strace s1  }
0xf: {  	_ =	strace $0x8FFFFFFF  }
0x10: {  	s19 =	sld [smem:$0x3FDB];
	_ =	sdelay $0x1  }
0x11: {  	s20 =	simm.s32 $_scs_section_size  }
0x12: {  	s4 =	simm.s32 $_size__tile_overlayer_lowered;
	s5 =	simm.s32 $_tile_overlayer_lowered  }
0x13: {  	s23 =	simm.s32 $0x1BFF;
	s22 =	sshll.u32 s5, $0x1;
	s1 =	sadd.s32 s20, s19  }
0x14: {  	s6 =	simm.s32 $0x0;
	s21 =	sshll.u32 s4, $0x1;
	s4 =	sadd.s32 s22, s1  }
0x15: {  	[timem:s6], [sflag:s23] =	dma.local [hbm:s4], s21  }
0x16: {  	_ =	swait.ge [sflag:s23], s21  }
0x17: {  	s2 =	ssub.s32 $0x0, s21;
	[sflag:s23] =	ssyncset.done $0x0  }
0x18: {  	[sflag:s23] =	ssyncadd.s32 s2;
	_ =	sdelay $0x1  }
0x19: {  	s24 =	simm.s32 $0x1B8B  }
0x1a: {  	_ =	swait.ge [sflag:s24], $0x1  }
0x1b: {  	[sflag:s24] =	ssyncset.done $0x0  }
0x1c: {  	s26 =	simm.s32 $0x1B8E;
	s25 =	sld [smem:$0x3FFE];
	[sflag:s24] =	ssyncadd.s32 $0xFFFFFFFF  }
0x1d: {  	s27 =	simm.s32 $execute0_lowered;
	[smem:$0x3FD2] =	sst s26  }
0x1e: {  	s4 =	sshll.u32 s27, $0x1;
	_ =	strace $0x80000046;
	[dreg:$0x1] =	wrdreg $0xFFFFFFFF  }
0x1f: {  	s28 =	simm.s32 $_size_execute0_lowered;
	s1 =	sadd.s32 s1, s4;
	[dreg:$0x0] =	wrdreg $0x0  }
0x20: {  	s4 =	sshll.u32 s28, $0x1;
	[dreg:$0x2] =	wrdreg s1  }
0x21: {  	[dreg:$0x3] =	wrdreg s4  }
0x22: {  	[dreg:$0x4] =	wrdreg $0xC0  }
0x23: {  	_ =	task [dreg:s6], $0x5FFFF  }
0x24: {  	[dreg:$0x1] =	wrdreg $0xFFFFFFFF  }
0x25: {  	[dreg:$0x0] =	wrdreg $0x60  }
0x26: {  	[dreg:$0x2] =	wrdreg s25  }
0x27: {  	[dreg:$0x3] =	wrdreg $0x9  }
0x28: {  	_ =	task.clear_ibuf [dreg:s6], $0x4FFFF;
	_ =	strace $0x90000046  }
0x29: {  	s29 =	simm.s32 $0x9;
	_ =	strace $0x80000048  }
0x2a: {  	_ =	swait.ge [sflag:s29], $0x1  }
0x2b: {  	[sflag:s29] =	ssyncadd.s32 $0xFFFFFFFF  }
0x2c: {  	_ =	strace $0x90000048  }
0x2d: {  	_ =	sfence  }
0x2e: {  	s30 =	sld [smem:$0x0];
	_ =	sdelay $0x2  }
0x2f: {  	s31 =	sshll.u32 s3, $0xD;
	s3 =	sshrl.u32 s3, $0x2  }
0x30: {  	s2 =	sand.u32 $0x4000, s31;
	s1 =	sadd.s32 s3, s30  }
0x31: {  	s0 =	sor.u32 s2, s0;
	s1 =	sshll.u32 s1, $0x11  }
0x32: {  	s0 =	sor.u32 s1, s0  }
0x33: {  	s0 =	sadd.s32 $0x8F2B, s0  }
0x34: {  	[sflag:s0] =	ssyncadd.remote.s32 $0x1  }
0x35: {  	_ =	sfence.sel $0xFFFF  }
0x36: {  	[dreg:$0x0] =	wrdreg $0xFFFFFFFF;
	(pc) =	sbr.abs _section_cstart, $3  }
0x37: {  	[dreg:$0x1] =	wrdreg $0xFFFFFFFF  }
0x38: {  	_ =	task.clear_ibuf [dreg:s6], $0x2FFFF;
	_ =	strace $0x9FFFFFFF  }
0x39: {  	(tm) =	ssettm $0x7FFFFFFF  }
tec
execute0_lowered:
.L_overlay_start_1:
0x0: {  	(tag) =	ssettag $0x1  }
0x1: {  	s0 =	stileid.u32;
	s5 =	srdreg.scid  }
0x2: {  	s1 =	sshll.u32 s0, $0x6;
	s2 =	sshll.u32 s5, $0xA  }
0x3: {  	s8 =	rddreg [dreg:$0x0];
	s7 =	simm.s32 $0x1;
	s1 =	sor.u32 s1, s2  }
0x4: {  	s10 =	simm.s32 $0x2;
	s15 =	simm.s32 $0x0;
	s2 =	sand.u32 $0x780, s1  }
0x5: {  	s11 =	simm.s32 $0x80;
	s16 =	simm.s32 $0x0;
	s4 =	ssub.s32 $0x800, s2  }
0x6: {  	s17 =	simm.s32 $0x0;
	s12 =	simm.s32 $0x0;
	s3 =	sand.u32 $0x780, s4  }
0x7: {  	s14 =	simm.s32 $0x0;
	s6 =	sshll.u32 s0, $0x4;
	p0 =	sne.s32 s3, $0x0  }
0x8: {  	s4 =	sshrl.u32 s4, $0xB;
	s3 =	sand.u32 $0x1, s0;
	s7 =	simm.s32 @!p0 $0x0  }
0x9: {  	s5 =	sshll.u32 s5, $0x8;
	s9 =	ssub.s32 $0x2, s3;
	s7 =	sadd.s32 s7, s4  }
0xa: {  	s6 =	sand.u32 $0xE0, s6;
	s30 =	sand.u32 $0x100, s5;
	s7 =	smul.u32 s7, s9  }
.Ltmp0:
0xb: {  	s1 =	rddreg [dreg:$0x1];
	s6 =	sadd.s32 s6, s8;
	(pc) =	sbr.rel .LBB1_1-.Ltmp0, $4  }
0xc: {  	_ =	strace $0x80000047;
	s31 =	sadd.s32 s30, s6;
	s4 =	simm.s32 $0x1  }
0xd: {  	s6 =	sadd.s32 $0x1ACA00, s8;
	[sflag:s4] =	ssyncpa.u1 $0x0;
	s5 =	smul.u32 $0xC, s7  }
0xe: {  	s8 =	sadd.s32 $0x20CA00, s8;
	s13 =	smov.u32 s3;
	[sflag:s10] =	ssyncpa.u1 $0x0  }
0xf: {  	s10 =	simm.s32 $0x40;
	s7 =	sadd.s32 $0x8CA00, s31;
	s9 =	sor.u32 $0x1, s5  }
.LBB1_7:
0x10: {  	s18 =	sadd.s32 $0x1, s12  }
0x11: {  	s16 =	sadd.s32 $0x2, s13;
	s19 =	smov.u32 s13;
	p1 =	sgt.s32 s18, $0xB  }
0x12: {  	s19 =	smov.u32 @p1 s16  }
0x13: {  	s18 =	simm.s32 @p1 $0x0;
	p1 =	sgt.s32 s19, $0x2  }
0x14: {  	s19 =	smov.u32 @p1 s3;
	p1 =	sne.s32 s14, s9  }
.Ltmp1:
0x15: {  	p0 =	slt.u32 s14, $0x2;
	(pc) =	sbr.rel @!p1 .LBB1_8-.Ltmp1, $4  }
0x16: {  	s15 =	simm.s32 @!p0 $0x2  }
0x17: {  	s17 =	smov.u32 s13;
	_ =	swait.ge @!p0 [sflag:s15], $0x4000;
	s16 =	smov.u32 s12  }
0x18: {  	[sflag:s15] =	ssyncset.done @!p0 $0x0;
	s12 =	smov.u32 s18;
	s14 =	sadd.s32 $0x1, s14  }
0x19: {  	[sflag:s15] =	ssyncadd.s32 @!p0 $0xFFFFC000;
	s15 =	smov.u32 s2;
	s13 =	smov.u32 s19  }
.LBB1_1:
0x1a: {  	p0 =	sge.u32 s14, s5  }
0x1b: {  	s19 =	smul.u32 @!p0 $0x60000, s13  }
0x1c: {  	s31 =	sadd.s32 $0xFFFFFFFF, s14;
	s18 =	sxor.u32 @!p0 $0xFFFFFFFF, s14;
	s20 =	sshll.u32 @!p0 s12, $0xF  }
0x1d: {  	s21 =	simm.s32 @!p0 $0x1000;
	s18 =	sshll.u32 @!p0 s18, $0xE;
	s19 =	sadd.s32 @!p0 s19, s7  }
0x1e: {  	s18 =	sand.u32 @!p0 $0x4000, s18;
	s19 =	sadd.s32 @!p0 s20, s19;
	s20 =	simm.s32 @!p0 $0x100  }
0x1f: {  	[tilespmem:s18], [sflag:$0x1] =	stream.strided.gather @!p0 [hbm4b:s19+s20], $0x4000, s21, s20, $0x38;
	[tilespmem:$0x10200] =	vst v63  }
0x20: {  	p0 =	sge.u32 s31, s5  }
.Ltmp2:
0x21: {  	_ = 	snop;
	(pc) =	sbr.rel @p0 .LBB1_7-.Ltmp2, $1  }
0x22: {  	_ =	sdelay $0x3  }
0x23: {  	s19 =	sand.u32 $0x1, s14  }
0x24: {  	s18 =	smul.u32 $0x10400, s19  }
0x25: {  	_ =	swait.ge [sflag:s4], $0x4000  }
0x26: {  	s21 =	simm.s32 $0x0;
	[sflag:s4] =	ssyncset.done $0x0;
	s18 =	sshrl.u32 s18, $0x2  }
0x27: {  	s20 =	sshll.u32 s19, $0xE;
	[sflag:s4] =	ssyncadd.s32 $0xFFFFC000;
	s19 =	sor.u32 $0x8000, s18  }
.LBB1_3:
0x28: {  	s22 =	sshll.u32 s21, $0x8  }
0x29: {  	s22 =	sand.u32 $0x3FFFFF00, s22  }
0x2a: {  	s22 =	sadd.s32 s22, s20  }
0x2b: {  	v0 =	vmov s22;
	_ =	sdelay $0x1  }
0x2c: {  	p0 =	por $0x1, $0x1;
	s22 =	simm.s32 $0x0  }
.LBB1_4:
0x2d: {  	s23 =	sshll.u32 s22, $0x7  }
0x2e: {  	s23 =	sand.u32 $0x3FFFFF80, s23  }
0x2f: {  	s31 =	smul.u32 $0x8200, s22;
	v1 =	vld.idx.msk [tilespmem:v0+s23+$0x0 ss:$0x1], $0xffff  }
0x30: {  	v2 =	vld.idx.msk [tilespmem:v0+s23+$0x10 ss:$0x1], $0xffff  }
0x31: {  	s22 =	sshra.s32 s31, $0x2;
	v3 =	vld.idx.msk [tilespmem:v0+s23+$0x20 ss:$0x1], $0xffff  }
0x32: {  	v4 =	vld.idx.msk [tilespmem:v0+s23+$0x30 ss:$0x1], $0xffff;
	s22 =	sadd.s32 s22, s19  }
0x33: {  	v5 =	vld.idx.msk [tilespmem:v0+s23+$0x40 ss:$0x1], $0xffff;
	s22 =	sadd.s32 s21, s22  }
0x34: {  	[tilespmem:s22+$0x0 ss:$0x41] =	vst.msk $0xffff, v1;
	v1 =	vld.idx.msk [tilespmem:v0+s23+$0x50 ss:$0x1], $0xffff  }
0x35: {  	[tilespmem:s22+$0x410 ss:$0x41] =	vst.msk $0xffff, v2;
	v2 =	vld.idx.msk [tilespmem:v0+s23+$0x60 ss:$0x1], $0xffff  }
0x36: {  	p1 =	por p0, p0;
	[tilespmem:s22+$0x820 ss:$0x41] =	vst.msk $0xffff, v3;
	v3 =	vld.idx.msk [tilespmem:v0+s23+$0x70 ss:$0x1], $0xffff  }
.Ltmp3:
0x37: {  	[tilespmem:s22+$0xC30 ss:$0x41] =	vst.msk $0xffff, v4;
	(pc) =	sbr.rel @p1 .LBB1_4-.Ltmp3, $4  }
0x38: {  	[tilespmem:s22+$0x1040 ss:$0x41] =	vst.msk $0xffff, v5  }
0x39: {  	[tilespmem:s22+$0x1450 ss:$0x41] =	vst.msk $0xffff, v1  }
0x3a: {  	[tilespmem:s22+$0x1860 ss:$0x41] =	vst.msk $0xffff, v2  }
0x3b: {  	p0 =	por $0x0, $0x0;
	[tilespmem:s22+$0x1C70 ss:$0x41] =	vst.msk $0xffff, v3;
	s22 =	simm.s32 $0x1  }
0x3c: {  	s21 =	sadd.s32 $0x1, s21  }
0x3d: {  	p0 =	sne.s32 s21, $0x40  }
.Ltmp4:
0x3e: {  	_ = 	snop;
	(pc) =	sbr.rel @p0 .LBB1_3-.Ltmp4, $1  }
0x3f: {  	_ =	sdelay $0x3  }
0x40: {  	s17 =	smul.u32 $0xC0000, s17  }
0x41: {  	s16 =	sshll.u32 s16, $0xF  }
0x42: {  	s15 =	sshll.u32 s15, $0x4;
	s20 =	sadd.s32 s17, s16  }
.Ltmp5:
0x43: {  	s17 =	sadd.s32 s17, s8;
	s20 =	sadd.s32 s6, s20;
	(pc) =	sbr.rel .LBB1_7-.Ltmp5, $4  }
0x44: {  	s16 =	sadd.s32 s16, s17;
	s20 =	sadd.s32 s15, s20  }
0x45: {  	[hbm4b:s20+s10] =	stream.strided.scatter [tilespmem:s19], [sflag:$0x2], $0x2000, s11, s10, $0x18;
	[tilespmem:$0x10200] =	vst v63  }
0x46: {  	s31 =	sadd.s32 $0xA080, s18;
	s15 =	sadd.s32 s15, s16  }
0x47: {  	[hbm4b:s15+s10] =	stream.strided.scatter [tilespmem:s31], [sflag:$0x2], $0x2000, s11, s10, $0x18;
	[tilespmem:$0x10200] =	vst v63  }
.LBB1_8:
0x48: {  	_ =	sfence.sel $0x180000  }
0x49: {  	s2 =	simm.s32 $0x1;
	[bflag:$0x0] =	sbarrier.arrive $0xFFFF  }
0x4a: {  	s31 =	simm.s32 $0x2;
	[sflag:s2] =	ssyncpa.u1 $0x1  }
0x4b: {  	[sflag:s31] =	ssyncpa.u1 $0x1  }
0x4c: {  	p0 =	sne.s32 s0, $0x0;
	_ =	strace $0x90000047  }
0x4d: {  	s0 =	sadd.s32 @!p0 $0x100000, s1;
	[bflag:$0x2] =	sbarrier.arrive $0xFFFF  }
0x4e: {  	[sflag:s0] =	ssyncadd.tile.s32 @!p0 $0x1;
	_ =	shalt  }
.Lfunc_end1:
_tile_overlayer_lowered:
.L_overlay_start_2:
0x4f: {  	(tag) =	ssettag $0x2  }
0x50: {  	s0 =	rddreg [dreg:$0x0];
	s2 =	stileid.u32  }
0x51: {  	s1 =	rddreg [dreg:$0x1];
	p0 =	sne.s32 s2, $0x0  }
0x52: {  	s3 =	rddreg [dreg:$0x2];
	[bflag:$0x3] =	sbarrier.arrive $0xFFFF;
	s2 =	simm.s32 @!p0 $0x1C01  }
0x53: {  	[timem:s3], [sflag:s2] =	dma.local @!p0 [hbm:s0], s1  }
0x54: {  	s0 =	simm.s32 @!p0 $0x1  }
0x55: {  	_ =	swait.ge @!p0 [sflag:s0], s1  }
0x56: {  	s1 =	ssub.s32 @!p0 $0x0, s1;
	[sflag:s0] =	ssyncset.done @!p0 $0x0  }
0x57: {  	[sflag:s0] =	ssyncadd.s32 @!p0 s1  }
0x58: {  	[bflag:$0x3] =	sbarrier.arrive $0xFFFF  }
0x59: {  	_ =	shalt  }

// kernel: sparse-core-data-format-call.cloned.1.call-start
scs
called_computation_lowered:
.L_overlay_start_0:
0x0: {  	s1 =	sld [smem:$0x3FD9]  }
0x1: {  	s2 =	sld [smem:$0x3FFE];
	_ =	sdelay $0x1  }
0x2: {  	s3 =	srdreg.scid  }
0x3: {  	s0 =	sand.u32 $0x1, s3  }
0x4: {  	s17 =	sshll.u32 s0, $0xA;
	s1 =	sadd.s32 s2, s1  }
0x5: {  	s1 =	sadd.s32 s1, s17  }
0x6: {  	[smem:$0x3FB3] =	sst s1  }
0x7: {  	_ = 	snop  }
0x8: {  	(tm) =	ssettm $0x1  }
0x9: {  	s18 =	sld [smem:$0x3FFB];
	_ =	sdelay $0x3  }
0xa: {  	_ =	strace s18  }
0xb: {  	s1 =	sld [smem:$0x3FFC];
	_ =	sdelay $0x3  }
0xc: {  	_ =	strace s1  }
0xd: {  	s1 =	sld [smem:$0x3FFD];
	_ =	sdelay $0x3  }
0xe: {  	_ =	strace s1  }
0xf: {  	_ =	strace $0x8FFFFFFF  }
0x10: {  	s19 =	sld [smem:$0x3FDB];
	_ =	sdelay $0x1  }
0x11: {  	s20 =	simm.s32 $_scs_section_size  }
0x12: {  	s4 =	simm.s32 $_size__tile_overlayer_lowered;
	s5 =	simm.s32 $_tile_overlayer_lowered  }
0x13: {  	s23 =	simm.s32 $0x1BFF;
	s22 =	sshll.u32 s5, $0x1;
	s1 =	sadd.s32 s20, s19  }
0x14: {  	s6 =	simm.s32 $0x0;
	s21 =	sshll.u32 s4, $0x1;
	s4 =	sadd.s32 s22, s1  }
0x15: {  	[timem:s6], [sflag:s23] =	dma.local [hbm:s4], s21  }
0x16: {  	_ =	swait.ge [sflag:s23], s21  }
0x17: {  	s2 =	ssub.s32 $0x0, s21;
	[sflag:s23] =	ssyncset.done $0x0  }
0x18: {  	[sflag:s23] =	ssyncadd.s32 s2;
	_ =	sdelay $0x1  }
0x19: {  	s24 =	simm.s32 $0x1B8B  }
0x1a: {  	_ =	swait.ge [sflag:s24], $0x1  }
0x1b: {  	[sflag:s24] =	ssyncset.done $0x0  }
0x1c: {  	s26 =	simm.s32 $0x1B8E;
	s25 =	sld [smem:$0x3FFE];
	[sflag:s24] =	ssyncadd.s32 $0xFFFFFFFF  }
0x1d: {  	s27 =	simm.s32 $execute0_lowered;
	[smem:$0x3FD2] =	sst s26  }
0x1e: {  	s4 =	sshll.u32 s27, $0x1;
	_ =	strace $0x80000049;
	[dreg:$0x1] =	wrdreg $0xFFFFFFFF  }
0x1f: {  	s28 =	simm.s32 $_size_execute0_lowered;
	s1 =	sadd.s32 s1, s4;
	[dreg:$0x0] =	wrdreg $0x0  }
0x20: {  	s4 =	sshll.u32 s28, $0x1;
	[dreg:$0x2] =	wrdreg s1  }
0x21: {  	[dreg:$0x3] =	wrdreg s4  }
0x22: {  	[dreg:$0x4] =	wrdreg $0xC0  }
0x23: {  	_ =	task [dreg:s6], $0x5FFFF  }
0x24: {  	[dreg:$0x1] =	wrdreg $0xFFFFFFFF  }
0x25: {  	[dreg:$0x0] =	wrdreg $0x60  }
0x26: {  	[dreg:$0x2] =	wrdreg s25  }
0x27: {  	[dreg:$0x3] =	wrdreg $0x9  }
0x28: {  	_ =	task.clear_ibuf [dreg:s6], $0x4FFFF;
	_ =	strace $0x90000049  }
0x29: {  	s29 =	simm.s32 $0x9;
	_ =	strace $0x8000004B  }
0x2a: {  	_ =	swait.ge [sflag:s29], $0x1  }
0x2b: {  	[sflag:s29] =	ssyncadd.s32 $0xFFFFFFFF  }
0x2c: {  	_ =	strace $0x9000004B  }
0x2d: {  	_ =	sfence  }
0x2e: {  	s30 =	sld [smem:$0x0];
	_ =	sdelay $0x2  }
0x2f: {  	s31 =	sshll.u32 s3, $0xD;
	s3 =	sshrl.u32 s3, $0x2  }
0x30: {  	s2 =	sand.u32 $0x4000, s31;
	s1 =	sadd.s32 s3, s30  }
0x31: {  	s0 =	sor.u32 s2, s0;
	s1 =	sshll.u32 s1, $0x11  }
0x32: {  	s0 =	sor.u32 s1, s0  }
0x33: {  	s0 =	sadd.s32 $0x8F2B, s0  }
0x34: {  	[sflag:s0] =	ssyncadd.remote.s32 $0x1  }
0x35: {  	_ =	sfence.sel $0xFFFF  }
0x36: {  	[dreg:$0x0] =	wrdreg $0xFFFFFFFF;
	(pc) =	sbr.abs _section_cstart, $3  }
0x37: {  	[dreg:$0x1] =	wrdreg $0xFFFFFFFF  }
0x38: {  	_ =	task.clear_ibuf [dreg:s6], $0x2FFFF;
	_ =	strace $0x9FFFFFFF  }
0x39: {  	(tm) =	ssettm $0x7FFFFFFF  }
tec
execute0_lowered:
.L_overlay_start_1:
0x0: {  	(tag) =	ssettag $0x1  }
0x1: {  	s0 =	stileid.u32;
	s5 =	srdreg.scid  }
0x2: {  	s1 =	sshll.u32 s0, $0x6;
	s2 =	sshll.u32 s5, $0xA  }
0x3: {  	s8 =	rddreg [dreg:$0x0];
	s7 =	simm.s32 $0x1;
	s1 =	sor.u32 s1, s2  }
0x4: {  	s10 =	simm.s32 $0x2;
	s15 =	simm.s32 $0x0;
	s2 =	sand.u32 $0x780, s1  }
0x5: {  	s11 =	simm.s32 $0x80;
	s16 =	simm.s32 $0x0;
	s4 =	ssub.s32 $0x800, s2  }
0x6: {  	s17 =	simm.s32 $0x0;
	s12 =	simm.s32 $0x0;
	s3 =	sand.u32 $0x780, s4  }
0x7: {  	s14 =	simm.s32 $0x0;
	s6 =	sshll.u32 s0, $0x4;
	p0 =	sne.s32 s3, $0x0  }
0x8: {  	s4 =	sshrl.u32 s4, $0xB;
	s3 =	sand.u32 $0x1, s0;
	s7 =	simm.s32 @!p0 $0x0  }
0x9: {  	s5 =	sshll.u32 s5, $0x8;
	s9 =	ssub.s32 $0x2, s3;
	s7 =	sadd.s32 s7, s4  }
0xa: {  	s6 =	sand.u32 $0xE0, s6;
	s30 =	sand.u32 $0x100, s5;
	s7 =	smul.u32 s7, s9  }
.Ltmp0:
0xb: {  	s1 =	rddreg [dreg:$0x1];
	s6 =	sadd.s32 s6, s8;
	(pc) =	sbr.rel .LBB1_1-.Ltmp0, $4  }
0xc: {  	_ =	strace $0x8000004A;
	s31 =	sadd.s32 s30, s6;
	s4 =	simm.s32 $0x1  }
0xd: {  	s6 =	sadd.s32 $0x189200, s8;
	[sflag:s4] =	ssyncpa.u1 $0x0;
	s5 =	smul.u32 $0xC, s7  }
0xe: {  	s8 =	sadd.s32 $0x1E9200, s8;
	s13 =	smov.u32 s3;
	[sflag:s10] =	ssyncpa.u1 $0x0  }
0xf: {  	s10 =	simm.s32 $0x40;
	s7 =	sadd.s32 $0x69200, s31;
	s9 =	sor.u32 $0x1, s5  }
.LBB1_7:
0x10: {  	s18 =	sadd.s32 $0x1, s12  }
0x11: {  	s16 =	sadd.s32 $0x2, s13;
	s19 =	smov.u32 s13;
	p1 =	sgt.s32 s18, $0xB  }
0x12: {  	s19 =	smov.u32 @p1 s16  }
0x13: {  	s18 =	simm.s32 @p1 $0x0;
	p1 =	sgt.s32 s19, $0x2  }
0x14: {  	s19 =	smov.u32 @p1 s3;
	p1 =	sne.s32 s14, s9  }
.Ltmp1:
0x15: {  	p0 =	slt.u32 s14, $0x2;
	(pc) =	sbr.rel @!p1 .LBB1_8-.Ltmp1, $4  }
0x16: {  	s15 =	simm.s32 @!p0 $0x2  }
0x17: {  	s17 =	smov.u32 s13;
	_ =	swait.ge @!p0 [sflag:s15], $0x4000;
	s16 =	smov.u32 s12  }
0x18: {  	[sflag:s15] =	ssyncset.done @!p0 $0x0;
	s12 =	smov.u32 s18;
	s14 =	sadd.s32 $0x1, s14  }
0x19: {  	[sflag:s15] =	ssyncadd.s32 @!p0 $0xFFFFC000;
	s15 =	smov.u32 s2;
	s13 =	smov.u32 s19  }
.LBB1_1:
0x1a: {  	p0 =	sge.u32 s14, s5  }
0x1b: {  	s19 =	smul.u32 @!p0 $0x60000, s13  }
0x1c: {  	s31 =	sadd.s32 $0xFFFFFFFF, s14;
	s18 =	sxor.u32 @!p0 $0xFFFFFFFF, s14;
	s20 =	sshll.u32 @!p0 s12, $0xF  }
0x1d: {  	s21 =	simm.s32 @!p0 $0x1000;
	s18 =	sshll.u32 @!p0 s18, $0xE;
	s19 =	sadd.s32 @!p0 s19, s7  }
0x1e: {  	s18 =	sand.u32 @!p0 $0x4000, s18;
	s19 =	sadd.s32 @!p0 s20, s19;
	s20 =	simm.s32 @!p0 $0x100  }
0x1f: {  	[tilespmem:s18], [sflag:$0x1] =	stream.strided.gather @!p0 [hbm4b:s19+s20], $0x4000, s21, s20, $0x38;
	[tilespmem:$0x10200] =	vst v63  }
0x20: {  	p0 =	sge.u32 s31, s5  }
.Ltmp2:
0x21: {  	_ = 	snop;
	(pc) =	sbr.rel @p0 .LBB1_7-.Ltmp2, $1  }
0x22: {  	_ =	sdelay $0x3  }
0x23: {  	s19 =	sand.u32 $0x1, s14  }
0x24: {  	s18 =	smul.u32 $0x10400, s19  }
0x25: {  	_ =	swait.ge [sflag:s4], $0x4000  }
0x26: {  	s21 =	simm.s32 $0x0;
	[sflag:s4] =	ssyncset.done $0x0;
	s18 =	sshrl.u32 s18, $0x2  }
0x27: {  	s20 =	sshll.u32 s19, $0xE;
	[sflag:s4] =	ssyncadd.s32 $0xFFFFC000;
	s19 =	sor.u32 $0x8000, s18  }
.LBB1_3:
0x28: {  	s22 =	sshll.u32 s21, $0x8  }
0x29: {  	s22 =	sand.u32 $0x3FFFFF00, s22  }
0x2a: {  	s22 =	sadd.s32 s22, s20  }
0x2b: {  	v0 =	vmov s22;
	_ =	sdelay $0x1  }
0x2c: {  	p0 =	por $0x1, $0x1;
	s22 =	simm.s32 $0x0  }
.LBB1_4:
0x2d: {  	s23 =	sshll.u32 s22, $0x7  }
0x2e: {  	s23 =	sand.u32 $0x3FFFFF80, s23  }
0x2f: {  	s31 =	smul.u32 $0x8200, s22;
	v1 =	vld.idx.msk [tilespmem:v0+s23+$0x0 ss:$0x1], $0xffff  }
0x30: {  	v2 =	vld.idx.msk [tilespmem:v0+s23+$0x10 ss:$0x1], $0xffff  }
0x31: {  	s22 =	sshra.s32 s31, $0x2;
	v3 =	vld.idx.msk [tilespmem:v0+s23+$0x20 ss:$0x1], $0xffff  }
0x32: {  	v4 =	vld.idx.msk [tilespmem:v0+s23+$0x30 ss:$0x1], $0xffff;
	s22 =	sadd.s32 s22, s19  }
0x33: {  	v5 =	vld.idx.msk [tilespmem:v0+s23+$0x40 ss:$0x1], $0xffff;
	s22 =	sadd.s32 s21, s22  }
0x34: {  	[tilespmem:s22+$0x0 ss:$0x41] =	vst.msk $0xffff, v1;
	v1 =	vld.idx.msk [tilespmem:v0+s23+$0x50 ss:$0x1], $0xffff  }
0x35: {  	[tilespmem:s22+$0x410 ss:$0x41] =	vst.msk $0xffff, v2;
	v2 =	vld.idx.msk [tilespmem:v0+s23+$0x60 ss:$0x1], $0xffff  }
0x36: {  	p1 =	por p0, p0;
	[tilespmem:s22+$0x820 ss:$0x41] =	vst.msk $0xffff, v3;
	v3 =	vld.idx.msk [tilespmem:v0+s23+$0x70 ss:$0x1], $0xffff  }
.Ltmp3:
0x37: {  	[tilespmem:s22+$0xC30 ss:$0x41] =	vst.msk $0xffff, v4;
	(pc) =	sbr.rel @p1 .LBB1_4-.Ltmp3, $4  }
0x38: {  	[tilespmem:s22+$0x1040 ss:$0x41] =	vst.msk $0xffff, v5  }
0x39: {  	[tilespmem:s22+$0x1450 ss:$0x41] =	vst.msk $0xffff, v1  }
0x3a: {  	[tilespmem:s22+$0x1860 ss:$0x41] =	vst.msk $0xffff, v2  }
0x3b: {  	p0 =	por $0x0, $0x0;
	[tilespmem:s22+$0x1C70 ss:$0x41] =	vst.msk $0xffff, v3;
	s22 =	simm.s32 $0x1  }
0x3c: {  	s21 =	sadd.s32 $0x1, s21  }
0x3d: {  	p0 =	sne.s32 s21, $0x40  }
.Ltmp4:
0x3e: {  	_ = 	snop;
	(pc) =	sbr.rel @p0 .LBB1_3-.Ltmp4, $1  }
0x3f: {  	_ =	sdelay $0x3  }
0x40: {  	s17 =	smul.u32 $0xC0000, s17  }
0x41: {  	s16 =	sshll.u32 s16, $0xF  }
0x42: {  	s15 =	sshll.u32 s15, $0x4;
	s20 =	sadd.s32 s17, s16  }
.Ltmp5:
0x43: {  	s17 =	sadd.s32 s17, s8;
	s20 =	sadd.s32 s6, s20;
	(pc) =	sbr.rel .LBB1_7-.Ltmp5, $4  }
0x44: {  	s16 =	sadd.s32 s16, s17;
	s20 =	sadd.s32 s15, s20  }
0x45: {  	[hbm4b:s20+s10] =	stream.strided.scatter [tilespmem:s19], [sflag:$0x2], $0x2000, s11, s10, $0x18;
	[tilespmem:$0x10200] =	vst v63  }
0x46: {  	s31 =	sadd.s32 $0xA080, s18;
	s15 =	sadd.s32 s15, s16  }
0x47: {  	[hbm4b:s15+s10] =	stream.strided.scatter [tilespmem:s31], [sflag:$0x2], $0x2000, s11, s10, $0x18;
	[tilespmem:$0x10200] =	vst v63  }
.LBB1_8:
0x48: {  	_ =	sfence.sel $0x180000  }
0x49: {  	s2 =	simm.s32 $0x1;
	[bflag:$0x0] =	sbarrier.arrive $0xFFFF  }
0x4a: {  	s31 =	simm.s32 $0x2;
	[sflag:s2] =	ssyncpa.u1 $0x1  }
0x4b: {  	[sflag:s31] =	ssyncpa.u1 $0x1  }
0x4c: {  	p0 =	sne.s32 s0, $0x0;
	_ =	strace $0x9000004A  }
0x4d: {  	s0 =	sadd.s32 @!p0 $0x100000, s1;
	[bflag:$0x2] =	sbarrier.arrive $0xFFFF  }
0x4e: {  	[sflag:s0] =	ssyncadd.tile.s32 @!p0 $0x1;
	_ =	shalt  }
.Lfunc_end1:
_tile_overlayer_lowered:
.L_overlay_start_2:
0x4f: {  	(tag) =	ssettag $0x2  }
0x50: {  	s0 =	rddreg [dreg:$0x0];
	s2 =	stileid.u32  }
0x51: {  	s1 =	rddreg [dreg:$0x1];
	p0 =	sne.s32 s2, $0x0  }
0x52: {  	s3 =	rddreg [dreg:$0x2];
	[bflag:$0x3] =	sbarrier.arrive $0xFFFF;
	s2 =	simm.s32 @!p0 $0x1C01  }
0x53: {  	[timem:s3], [sflag:s2] =	dma.local @!p0 [hbm:s0], s1  }
0x54: {  	s0 =	simm.s32 @!p0 $0x1  }
0x55: {  	_ =	swait.ge @!p0 [sflag:s0], s1  }
0x56: {  	s1 =	ssub.s32 @!p0 $0x0, s1;
	[sflag:s0] =	ssyncset.done @!p0 $0x0  }
0x57: {  	[sflag:s0] =	ssyncadd.s32 @!p0 s1  }
0x58: {  	[bflag:$0x3] =	sbarrier.arrive $0xFFFF  }
0x59: {  	_ =	shalt  }

</sc_bundles>
